<compile_context>
chip_gen: v7x
topology: tpu7x:2x2x1
jax: 0.10.2.dev20260603
libtpu: 0.0.44.dev20260713+nightly
codegen_flags: <defaults>
</compile_context>

<pallas_src>
import jax
import jax.numpy as jnp
from jax.experimental import pallas as pl
from jax.experimental.pallas import tpu as pltpu
from jax.experimental.pallas import tpu_sc as plsc

NUM_GROUPS = 12
GROUP_SIZE = 64
EPS = 0.01

_LANES = 128
_BLK = 48
_VEC = 16


def _sc_block_body(x_ref, g_ref, b_ref, o_ref):
    @pl.loop(0, _BLK)
    def _(s):
        j = jax.lax.rem(s, 6)
        for h in range(2):
            base = GROUP_SIZE * h
            chunks = [x_ref[s, pl.ds(base + _VEC * k, _VEC)]
                      for k in range(4)]
            sv = (chunks[0] + chunks[1]) + (chunks[2] + chunks[3])
            qv = ((chunks[0] * chunks[0] + chunks[1] * chunks[1]) +
                  (chunks[2] * chunks[2] + chunks[3] * chunks[3]))
            ssum = jnp.sum(sv)
            qsum = jnp.sum(qv)
            mean = ssum * (1.0 / GROUP_SIZE)
            c = GROUP_SIZE / (GROUP_SIZE - 1.0)
            var = jnp.maximum(qsum * (1.0 / (GROUP_SIZE - 1.0))
                              - c * (mean * mean), 0.0) + 1e-30
            bits = jax.lax.bitcast_convert_type(var, jnp.int32)
            bits = 0x5F3759DF - jax.lax.shift_right_arithmetic(bits, 1)
            r = jax.lax.bitcast_convert_type(bits, jnp.float32)
            for _ in range(3):
                r = r * (1.5 - (0.5 * var) * (r * r))
            std = var * r
            gv = g_ref[j, pl.ds(0, _VEC)]
            bv = b_ref[j, pl.ds(0, _VEC)]
            d = std + EPS
            dbits = jax.lax.bitcast_convert_type(d, jnp.int32)
            dbits = 0x7EF311C3 - dbits
            rc = jax.lax.bitcast_convert_type(dbits, jnp.float32)
            for _ in range(3):
                rc = rc * (2.0 - d * rc)
            scale = gv[h] * rc
            off = bv[h] - mean * scale
            for k in range(4):
                o_ref[s, pl.ds(base + _VEC * k, _VEC)] = chunks[k] * scale + off


def kernel(x, channel_groups, gamma, beta):
    B, C, _ = x.shape
    del channel_groups
    sub = C // _LANES
    rows = B * sub
    xs = x.reshape(rows, _LANES)
    g2 = jnp.pad(gamma.astype(jnp.float32).reshape(sub, 2),
                 ((0, 0), (0, _VEC - 2)))
    b2 = jnp.pad(beta.astype(jnp.float32).reshape(sub, 2),
                 ((0, 0), (0, _VEC - 2)))

    mesh = plsc.VectorSubcoreMesh(core_axis_name="core",
                                  subcore_axis_name="subcore")

    @pl.kernel(out_type=jax.ShapeDtypeStruct((rows, _LANES), jnp.float32),
               mesh=mesh, scratch_types=[],
               compiler_params=pltpu.CompilerParams(
                   needs_layout_passes=False))
    def sc_norm(x_hbm, g_hbm, b_hbm, o_hbm):
        pltpu.emit_pipeline(
            _sc_block_body,
            grid=(rows // _BLK,),
            in_specs=[
                pl.BlockSpec((_BLK, _LANES), lambda i: (i, 0)),
                pl.BlockSpec((sub, _VEC), lambda i: (0, 0)),
                pl.BlockSpec((sub, _VEC), lambda i: (0, 0)),
            ],
            out_specs=[pl.BlockSpec((_BLK, _LANES), lambda i: (i, 0))],
            core_axis_name=("core", "subcore"),
            dimension_semantics=(pltpu.PARALLEL,),
        )(x_hbm, g_hbm, b_hbm, o_hbm)

    y = sc_norm(xs, g2, b2)
    return y.reshape(B, C, 1)

# --- scband reference (transcript-rebuilt; emitter-appended) ---
"""Pipeline reference for scband-group-layer-norm-81896436400578 (READ-ONLY COPY).

The authoritative reference and input builder live on the scoring server;
editing this copy changes nothing except your own understanding.
"""

import jax, jax.numpy as jnp
import numpy as np

NUM_GROUPS = 12
GROUP_SIZE = 64
B = 16384
C = NUM_GROUPS * GROUP_SIZE
EPS = 0.01


def setup_inputs(seed: int = 0) -> dict:
    key = jax.random.key(seed)
    x = jax.random.normal(jax.random.fold_in(key, 0), (B, C, 1), dtype=jnp.float32)
    channel_groups = jnp.repeat(jnp.arange(NUM_GROUPS, dtype=jnp.int32), GROUP_SIZE)
    gamma = jnp.ones((NUM_GROUPS,), dtype=jnp.float32)
    beta = jnp.zeros((NUM_GROUPS,), dtype=jnp.float32)
    return {"x": x, "channel_groups": channel_groups, "gamma": gamma, "beta": beta}


def reference(x, channel_groups, gamma, beta):
    xs = jnp.squeeze(x, -1)  # [B, C]
    counts = jnp.bincount(channel_groups, length=NUM_GROUPS).astype(xs.dtype)  # n_channels per group
    # scatter-mean over channel axis (dim=1): segment_sum over transposed channels
    sums = jax.ops.segment_sum(xs.T, channel_groups, num_segments=NUM_GROUPS)  # [G, B]
    mean = (sums / counts[:, None]).T  # [B, G]
    diff = xs - jnp.take(mean, channel_groups, axis=1)
    sq = jax.ops.segment_sum((diff ** 2).T, channel_groups, num_segments=NUM_GROUPS).T  # [B, G]
    std = jnp.sqrt(sq / (counts[None, :] - 1.0))
    mean = jax.lax.stop_gradient(mean)
    std = jax.lax.stop_gradient(std)
    expanded_mean = jnp.take(mean, channel_groups, axis=1)
    expanded_std = jnp.take(std, channel_groups, axis=1)
    y = (xs - expanded_mean) / (expanded_std + EPS)
    y = y * jnp.take(gamma, channel_groups)[None, :] + jnp.take(beta, channel_groups)[None, :]
    return y[..., None]

if __name__ == "__main__":
    import jax
    _d = setup_inputs()
    print(jax.jit(kernel)(*tuple(_d.values())))

</pallas_src>

<mosaic_0001>
#map = affine_map<(d0, d1) -> (0, 0)>
module attributes {stable_mosaic.version = 14 : i64} {
  func.func @sc_norm(%arg0: i32, %arg1: i32, %arg2: memref<98304x128xf32, #tpu.memory_space<hbm>>, %arg3: memref<6x16xf32, #tpu.memory_space<hbm>>, %arg4: memref<6x16xf32, #tpu.memory_space<hbm>>, %arg5: memref<98304x128xf32, #tpu.memory_space<hbm>>) attributes {dimension_semantics = [#tpu.dimension_semantics<core_parallel>, #tpu.dimension_semantics<subcore_parallel>], iteration_bounds = array<i64: 2, 16>, scalar_prefetch = 0 : i64, scratch_operands = 0 : i64, tpu.core_type = #tpu.core_type<sc_vector_subcore>, window_params = [{transform_indices = #map}, {transform_indices = #map}, {transform_indices = #map}, {transform_indices = #map}]} {
    %mul3A = arith.constant 1 : i32
    %mul3A_0 = arith.muli %arg1, %mul3A : i32
    %add3A = arith.constant 0 : i32
    %add3A_1 = arith.addi %add3A, %mul3A_0 : i32
    %mul3A_2 = arith.constant 16 : i32
    %mul3A_3 = arith.muli %arg0, %mul3A_2 : i32
    %add3A_4 = arith.addi %add3A_1, %mul3A_3 : i32
    %mul3A_5 = arith.constant 64 : i32
    %mul3A_6 = arith.muli %add3A_4, %mul3A_5 : i32
    "tpu.region"() ({
      %run_scoped3A = memref.alloca() : memref<2x48x128xf32, #tpu.memory_space<vmem>>
      %run_scoped3A_7 = tpu.sem_alloc : memref<2x!tpu.dma_semaphore, #tpu.memory_space<semaphore_mem>>
      %run_scoped3A_8 = memref.alloca() : memref<6x16xf32, #tpu.memory_space<vmem>>
      %run_scoped3A_9 = memref.alloca() : memref<6x16xf32, #tpu.memory_space<vmem>>
      %run_scoped3A_10 = memref.alloca() : memref<2x48x128xf32, #tpu.memory_space<vmem>>
      %run_scoped3A_11 = tpu.sem_alloc : memref<2x!tpu.dma_semaphore, #tpu.memory_space<semaphore_mem>>
      %add3A_12 = arith.constant 0 : i32
      %add3A_13 = arith.addi %add3A_12, %mul3A_6 : i32
      %select_n3A = arith.constant true
      %select_n3A_14 = arith.constant 0 : i32
      %select_n3A_15 = arith.constant -1 : i32
      %select_n3A_16 = arith.select %select_n3A, %select_n3A_15, %select_n3A_14 : i32
      %eq3A = arith.constant -1 : i32
      %eq3A_17 = arith.cmpi eq, %select_n3A_16, %eq3A : i32
      %select_n3A_18 = arith.constant 63 : i32
      %select_n3A_19 = arith.select %eq3A_17, %select_n3A_18, %select_n3A_16 : i32
      %add3A_20 = arith.addi %select_n3A_19, %mul3A_6 : i32
      %select_n3A_21 = arith.constant true
      %select_n3A_22 = arith.constant 0 : i32
      %select_n3A_23 = arith.constant 1 : i32
      %select_n3A_24 = arith.select %select_n3A_21, %select_n3A_23, %select_n3A_22 : i32
      %eq3A_25 = arith.constant 64 : i32
      %eq3A_26 = arith.cmpi eq, %select_n3A_24, %eq3A_25 : i32
      %select_n3A_27 = arith.constant 0 : i32
      %select_n3A_28 = arith.select %eq3A_26, %select_n3A_27, %select_n3A_24 : i32
      %add3A_29 = arith.addi %select_n3A_28, %mul3A_6 : i32
      %add3A_30 = arith.constant 1 : i32
      %add3A_31 = arith.addi %select_n3A_28, %add3A_30 : i32
      %select_n3A_32 = arith.constant true
      %select_n3A_33 = arith.select %select_n3A_32, %add3A_31, %select_n3A_28 : i32
      %eq3A_34 = arith.constant 64 : i32
      %eq3A_35 = arith.cmpi eq, %select_n3A_33, %eq3A_34 : i32
      %select_n3A_36 = arith.constant 0 : i32
      %select_n3A_37 = arith.select %eq3A_35, %select_n3A_36, %select_n3A_33 : i32
      %add3A_38 = arith.addi %select_n3A_37, %mul3A_6 : i32
      "tpu.region"() ({
        %run_scoped3A_127 = tpu.sem_alloc : memref<!tpu.dma_semaphore, #tpu.memory_space<semaphore_mem>>
        tpu.enqueue_dma source(%arg3 : memref<6x16xf32, #tpu.memory_space<hbm>>) target(%run_scoped3A_8 : memref<6x16xf32, #tpu.memory_space<vmem>>) target_semaphore(%run_scoped3A_127 : memref<!tpu.dma_semaphore, #tpu.memory_space<semaphore_mem>>)
        tpu.wait_dma2 semaphore(%run_scoped3A_127 : memref<!tpu.dma_semaphore, #tpu.memory_space<semaphore_mem>>) src(%arg3 : memref<6x16xf32, #tpu.memory_space<hbm>>) dst(%run_scoped3A_8 : memref<6x16xf32, #tpu.memory_space<vmem>>)
        tpu.yield
      }) : () -> ()
      "tpu.region"() ({
        %run_scoped3A_127 = tpu.sem_alloc : memref<!tpu.dma_semaphore, #tpu.memory_space<semaphore_mem>>
        tpu.enqueue_dma source(%arg4 : memref<6x16xf32, #tpu.memory_space<hbm>>) target(%run_scoped3A_9 : memref<6x16xf32, #tpu.memory_space<vmem>>) target_semaphore(%run_scoped3A_127 : memref<!tpu.dma_semaphore, #tpu.memory_space<semaphore_mem>>)
        tpu.wait_dma2 semaphore(%run_scoped3A_127 : memref<!tpu.dma_semaphore, #tpu.memory_space<semaphore_mem>>) src(%arg4 : memref<6x16xf32, #tpu.memory_space<hbm>>) dst(%run_scoped3A_9 : memref<6x16xf32, #tpu.memory_space<vmem>>)
        tpu.yield
      }) : () -> ()
      "tpu.trace_start"() <{level = 10 : i32, message = "ep_initialize_0"}> : () -> ()
      %rem3A = arith.constant 0 : i32
      %rem3A_39 = arith.constant 2 : i32
      %rem3A_40 = arith.remui %rem3A, %rem3A_39 : i32
      %mul3A_41 = arith.constant 48 : i32
      %mul3A_42 = arith.muli %mul3A_41, %add3A_13 : i32
      %dma_start3A = arith.constant 0 : i32
      %dma_start3A_43 = arith.constant 0 : i32
      %dma_start3A_44 = tpu.memref_slice %run_scoped3A[%rem3A_40, %dma_start3A, %dma_start3A_43] : memref<2x48x128xf32, #tpu.memory_space<vmem>> -> memref<1x48x128xf32, #tpu.memory_space<vmem>>
      %dma_start3A_45 = tpu.memref_squeeze %dma_start3A_44 : memref<1x48x128xf32, #tpu.memory_space<vmem>> -> memref<48x128xf32, #tpu.memory_space<vmem>>
      %dma_start3A_46 = arith.constant 0 : i32
      %dma_start3A_47 = tpu.memref_slice %arg2[%mul3A_42, %dma_start3A_46] : memref<98304x128xf32, #tpu.memory_space<hbm>> -> memref<48x128xf32, #tpu.memory_space<hbm>>
      %dma_start3A_48 = tpu.memref_slice %run_scoped3A_7[%rem3A_40] : memref<2x!tpu.dma_semaphore, #tpu.memory_space<semaphore_mem>> -> memref<1x!tpu.dma_semaphore, #tpu.memory_space<semaphore_mem>>
      %dma_start3A_49 = tpu.memref_squeeze %dma_start3A_48 : memref<1x!tpu.dma_semaphore, #tpu.memory_space<semaphore_mem>> -> memref<!tpu.dma_semaphore, #tpu.memory_space<semaphore_mem>>
      %dma_start3A_50 = arith.constant 0 : i32
      %dma_start3A_51 = arith.constant 0 : i32
      %dma_start3A_52 = tpu.memref_slice %run_scoped3A[%rem3A_40, %dma_start3A_50, %dma_start3A_51] : memref<2x48x128xf32, #tpu.memory_space<vmem>> -> memref<1x48x128xf32, #tpu.memory_space<vmem>>
      %dma_start3A_53 = tpu.memref_squeeze %dma_start3A_52 : memref<1x48x128xf32, #tpu.memory_space<vmem>> -> memref<48x128xf32, #tpu.memory_space<vmem>>
      %dma_start3A_54 = arith.constant 0 : i32
      %dma_start3A_55 = tpu.memref_slice %arg2[%mul3A_42, %dma_start3A_54] : memref<98304x128xf32, #tpu.memory_space<hbm>> -> memref<48x128xf32, #tpu.memory_space<hbm>>
      tpu.enqueue_dma source(%dma_start3A_55 : memref<48x128xf32, #tpu.memory_space<hbm>>) target(%dma_start3A_53 : memref<48x128xf32, #tpu.memory_space<vmem>>) target_semaphore(%dma_start3A_49 : memref<!tpu.dma_semaphore, #tpu.memory_space<semaphore_mem>>)
      %add3A_56 = arith.constant 0 : i32
      %add3A_57 = arith.constant 1 : i32
      %add3A_58 = arith.addi %add3A_56, %add3A_57 : i32
      %select_n3A_59 = arith.constant true
      %select_n3A_60 = arith.constant 0 : i32
      %select_n3A_61 = arith.select %select_n3A_59, %add3A_58, %select_n3A_60 : i32
      "tpu.trace_stop"() : () -> ()
      %scan3A = arith.constant 0 : i32
      %scan3A_62 = arith.constant 0 : i32
      %scan3A_63 = arith.constant 0 : i32
      %scan3A_64 = arith.constant 0 : i32
      %scan3A_65 = arith.constant 0 : i32
      %scan3A_66 = arith.constant 0 : i32
      %scan3A_67 = arith.constant 0 : i32
      %scan3A_68 = arith.constant 0 : i32
      %scan3A_69 = arith.constant 0 : i32
      %scan3A_70 = arith.constant 64 : i32
      %scan3A_71 = arith.addi %scan3A_69, %scan3A_70 : i32
      %scan3A_72 = arith.constant 1 : i32
      %scan3A_73:7 = scf.for %scan3A_127 = %scan3A_69 to %scan3A_71 step %scan3A_72 iter_args(%scan3A_128 = %select_n3A_61, %scan3A_129 = %scan3A_63, %scan3A_130 = %scan3A_64, %scan3A_131 = %scan3A_65, %scan3A_132 = %scan3A_66, %scan3A_133 = %scan3A_67, %scan3A_134 = %scan3A_68) -> (i32, i32, i32, i32, i32, i32, i32)  : i32 {
        %eq3A_135 = arith.constant 0 : i32
        %eq3A_136 = arith.cmpi eq, %scan3A_127, %eq3A_135 : i32
        %eq3A_137 = arith.constant 63 : i32
        %eq3A_138 = arith.cmpi eq, %scan3A_127, %eq3A_137 : i32
        %add3A_139 = arith.addi %scan3A_134, %mul3A_6 : i32
        %sub3A_140 = arith.constant 1 : i32
        %sub3A_141 = arith.subi %scan3A_134, %sub3A_140 : i32
        %select_n3A_142 = arith.constant true
        %select_n3A_143 = arith.select %select_n3A_142, %sub3A_141, %scan3A_134 : i32
        %eq3A_144 = arith.constant -1 : i32
        %eq3A_145 = arith.cmpi eq, %select_n3A_143, %eq3A_144 : i32
        %select_n3A_146 = arith.constant 63 : i32
        %select_n3A_147 = arith.select %eq3A_145, %select_n3A_146, %select_n3A_143 : i32
        %add3A_148 = arith.addi %select_n3A_147, %mul3A_6 : i32
        %add3A_149 = arith.constant 1 : i32
        %add3A_150 = arith.addi %scan3A_134, %add3A_149 : i32
        %select_n3A_151 = arith.constant true
        %select_n3A_152 = arith.select %select_n3A_151, %add3A_150, %scan3A_134 : i32
        %eq3A_153 = arith.constant 64 : i32
        %eq3A_154 = arith.cmpi eq, %select_n3A_152, %eq3A_153 : i32
        %select_n3A_155 = arith.constant 0 : i32
        %select_n3A_156 = arith.select %eq3A_154, %select_n3A_155, %select_n3A_152 : i32
        %add3A_157 = arith.addi %select_n3A_156, %mul3A_6 : i32
        %add3A_158 = arith.constant 1 : i32
        %add3A_159 = arith.addi %select_n3A_156, %add3A_158 : i32
        %select_n3A_160 = arith.constant true
        %select_n3A_161 = arith.select %select_n3A_160, %add3A_159, %select_n3A_156 : i32
        %eq3A_162 = arith.constant 64 : i32
        %eq3A_163 = arith.cmpi eq, %select_n3A_161, %eq3A_162 : i32
        %select_n3A_164 = arith.constant 0 : i32
        %select_n3A_165 = arith.select %eq3A_163, %select_n3A_164, %select_n3A_161 : i32
        %add3A_166 = arith.addi %select_n3A_165, %mul3A_6 : i32
        %ne3A = arith.cmpi ne, %add3A_139, %add3A_157 : i32
        %or3A = arith.constant false
        %or3A_167 = arith.ori %or3A, %ne3A : i1
        %or3A_168 = arith.constant false
        %or3A_169 = arith.ori %or3A_167, %or3A_168 : i1
        %ge3A = arith.constant 63 : i32
        %ge3A_170 = arith.cmpi sge, %scan3A_127, %ge3A : i32
        %not3A = arith.constant true
        %not3A_171 = arith.xori %ge3A_170, %not3A : i1
        %and3A = arith.andi %or3A_169, %not3A_171 : i1
        %convert_element_type3A = arith.extui %and3A : i1 to i32
        %cond3A = arith.constant 0 : i32
        %cond3A_172 = arith.cmpi ne, %convert_element_type3A, %cond3A : i32
        scf.if %cond3A_172 {
          "tpu.trace_start"() <{level = 10 : i32, message = "ep_copy_in"}> : () -> ()
          %rem3A_296 = arith.constant 2 : i32
          %rem3A_297 = arith.remui %scan3A_128, %rem3A_296 : i32
          %mul3A_298 = arith.constant 48 : i32
          %mul3A_299 = arith.muli %mul3A_298, %add3A_157 : i32
          %dma_start3A_300 = arith.constant 0 : i32
          %dma_start3A_301 = arith.constant 0 : i32
          %dma_start3A_302 = tpu.memref_slice %run_scoped3A[%rem3A_297, %dma_start3A_300, %dma_start3A_301] : memref<2x48x128xf32, #tpu.memory_space<vmem>> -> memref<1x48x128xf32, #tpu.memory_space<vmem>>
          %dma_start3A_303 = tpu.memref_squeeze %dma_start3A_302 : memref<1x48x128xf32, #tpu.memory_space<vmem>> -> memref<48x128xf32, #tpu.memory_space<vmem>>
          %dma_start3A_304 = arith.constant 0 : i32
          %dma_start3A_305 = tpu.memref_slice %arg2[%mul3A_299, %dma_start3A_304] : memref<98304x128xf32, #tpu.memory_space<hbm>> -> memref<48x128xf32, #tpu.memory_space<hbm>>
          %dma_start3A_306 = tpu.memref_slice %run_scoped3A_7[%rem3A_297] : memref<2x!tpu.dma_semaphore, #tpu.memory_space<semaphore_mem>> -> memref<1x!tpu.dma_semaphore, #tpu.memory_space<semaphore_mem>>
          %dma_start3A_307 = tpu.memref_squeeze %dma_start3A_306 : memref<1x!tpu.dma_semaphore, #tpu.memory_space<semaphore_mem>> -> memref<!tpu.dma_semaphore, #tpu.memory_space<semaphore_mem>>
          %dma_start3A_308 = arith.constant 0 : i32
          %dma_start3A_309 = arith.constant 0 : i32
          %dma_start3A_310 = tpu.memref_slice %run_scoped3A[%rem3A_297, %dma_start3A_308, %dma_start3A_309] : memref<2x48x128xf32, #tpu.memory_space<vmem>> -> memref<1x48x128xf32, #tpu.memory_space<vmem>>
          %dma_start3A_311 = tpu.memref_squeeze %dma_start3A_310 : memref<1x48x128xf32, #tpu.memory_space<vmem>> -> memref<48x128xf32, #tpu.memory_space<vmem>>
          %dma_start3A_312 = arith.constant 0 : i32
          %dma_start3A_313 = tpu.memref_slice %arg2[%mul3A_299, %dma_start3A_312] : memref<98304x128xf32, #tpu.memory_space<hbm>> -> memref<48x128xf32, #tpu.memory_space<hbm>>
          tpu.enqueue_dma source(%dma_start3A_313 : memref<48x128xf32, #tpu.memory_space<hbm>>) target(%dma_start3A_311 : memref<48x128xf32, #tpu.memory_space<vmem>>) target_semaphore(%dma_start3A_307 : memref<!tpu.dma_semaphore, #tpu.memory_space<semaphore_mem>>)
          "tpu.trace_stop"() : () -> ()
        } else {
        }
        %and3A_173 = arith.constant true
        %and3A_174 = arith.andi %and3A, %and3A_173 : i1
        %add3A_175 = arith.constant 1 : i32
        %add3A_176 = arith.addi %scan3A_128, %add3A_175 : i32
        %select_n3A_177 = arith.select %and3A_174, %add3A_176, %scan3A_128 : i32
        %ne3A_178 = arith.cmpi ne, %add3A_139, %add3A_157 : i32
        %or3A_179 = arith.constant false
        %or3A_180 = arith.ori %or3A_179, %ne3A_178 : i1
        %or3A_181 = arith.constant false
        %or3A_182 = arith.ori %or3A_180, %or3A_181 : i1
        %ge3A_183 = arith.constant 63 : i32
        %ge3A_184 = arith.cmpi sge, %scan3A_127, %ge3A_183 : i32
        %not3A_185 = arith.constant true
        %not3A_186 = arith.xori %ge3A_184, %not3A_185 : i1
        %and3A_187 = arith.andi %or3A_182, %not3A_186 : i1
        %ne3A_188 = arith.cmpi ne, %add3A_139, %add3A_148 : i32
        %or3A_189 = arith.constant false
        %or3A_190 = arith.ori %or3A_189, %ne3A_188 : i1
        %or3A_191 = arith.constant false
        %or3A_192 = arith.ori %or3A_190, %or3A_191 : i1
        %or3A_193 = arith.ori %or3A_192, %eq3A_136 : i1
        %convert_element_type3A_194 = arith.extui %or3A_193 : i1 to i32
        %cond3A_195 = arith.constant 0 : i32
        %cond3A_196 = arith.cmpi ne, %convert_element_type3A_194, %cond3A_195 : i32
        scf.if %cond3A_196 {
          "tpu.trace_start"() <{level = 10 : i32, message = "ep_wait_in"}> : () -> ()
          %mul3A_296 = arith.constant 48 : i32
          %mul3A_297 = arith.muli %mul3A_296, %add3A_139 : i32
          %rem3A_298 = arith.constant 2 : i32
          %rem3A_299 = arith.remui %scan3A_129, %rem3A_298 : i32
          %dma_wait3A_300 = arith.constant 0 : i32
          %dma_wait3A_301 = arith.constant 0 : i32
          %dma_wait3A_302 = tpu.memref_slice %run_scoped3A[%rem3A_299, %dma_wait3A_300, %dma_wait3A_301] : memref<2x48x128xf32, #tpu.memory_space<vmem>> -> memref<1x48x128xf32, #tpu.memory_space<vmem>>
          %dma_wait3A_303 = tpu.memref_squeeze %dma_wait3A_302 : memref<1x48x128xf32, #tpu.memory_space<vmem>> -> memref<48x128xf32, #tpu.memory_space<vmem>>
          %dma_wait3A_304 = arith.constant 0 : i32
          %dma_wait3A_305 = tpu.memref_slice %arg2[%mul3A_297, %dma_wait3A_304] : memref<98304x128xf32, #tpu.memory_space<hbm>> -> memref<48x128xf32, #tpu.memory_space<hbm>>
          %dma_wait3A_306 = tpu.memref_slice %run_scoped3A_7[%rem3A_299] : memref<2x!tpu.dma_semaphore, #tpu.memory_space<semaphore_mem>> -> memref<1x!tpu.dma_semaphore, #tpu.memory_space<semaphore_mem>>
          %dma_wait3A_307 = tpu.memref_squeeze %dma_wait3A_306 : memref<1x!tpu.dma_semaphore, #tpu.memory_space<semaphore_mem>> -> memref<!tpu.dma_semaphore, #tpu.memory_space<semaphore_mem>>
          %dma_wait3A_308 = arith.constant 0 : i32
          %dma_wait3A_309 = arith.constant 0 : i32
          %dma_wait3A_310 = tpu.memref_slice %run_scoped3A[%rem3A_299, %dma_wait3A_308, %dma_wait3A_309] : memref<2x48x128xf32, #tpu.memory_space<vmem>> -> memref<1x48x128xf32, #tpu.memory_space<vmem>>
          %dma_wait3A_311 = tpu.memref_squeeze %dma_wait3A_310 : memref<1x48x128xf32, #tpu.memory_space<vmem>> -> memref<48x128xf32, #tpu.memory_space<vmem>>
          %dma_wait3A_312 = arith.constant 0 : i32
          %dma_wait3A_313 = tpu.memref_slice %arg2[%mul3A_297, %dma_wait3A_312] : memref<98304x128xf32, #tpu.memory_space<hbm>> -> memref<48x128xf32, #tpu.memory_space<hbm>>
          tpu.wait_dma2 semaphore(%dma_wait3A_307 : memref<!tpu.dma_semaphore, #tpu.memory_space<semaphore_mem>>) src(%dma_wait3A_313 : memref<48x128xf32, #tpu.memory_space<hbm>>) dst(%dma_wait3A_311 : memref<48x128xf32, #tpu.memory_space<vmem>>)
          "tpu.trace_stop"() : () -> ()
        } else {
        }
        %ne3A_197 = arith.cmpi ne, %add3A_139, %add3A_148 : i32
        %or3A_198 = arith.constant false
        %or3A_199 = arith.ori %or3A_198, %ne3A_197 : i1
        %or3A_200 = arith.constant false
        %or3A_201 = arith.ori %or3A_199, %or3A_200 : i1
        %or3A_202 = arith.ori %or3A_201, %eq3A_136 : i1
        %convert_element_type3A_203 = arith.extui %or3A_202 : i1 to i32
        %cond3A_204 = arith.constant 0 : i32
        %cond3A_205 = arith.cmpi ne, %convert_element_type3A_203, %cond3A_204 : i32
        scf.if %cond3A_205 {
        } else {
        }
        %rem3A_206 = arith.constant 2 : i32
        %rem3A_207 = arith.remui %scan3A_129, %rem3A_206 : i32
        %rem3A_208 = arith.constant 2 : i32
        %rem3A_209 = arith.remui %scan3A_132, %rem3A_208 : i32
        "tpu.trace_start"() <{level = 10 : i32, message = "ep_run_kernel"}> : () -> ()
        %scan3A_210 = arith.constant 0 : i32
        %scan3A_211 = arith.constant 48 : i32
        %scan3A_212 = arith.addi %scan3A_210, %scan3A_211 : i32
        %scan3A_213 = arith.constant 1 : i32
        scf.for %scan3A_296 = %scan3A_210 to %scan3A_212 step %scan3A_213  : i32 {
          %mul3A_297 = arith.constant 1 : i32
          %mul3A_298 = arith.muli %scan3A_296, %mul3A_297 : i32
          %add3A_299 = arith.constant 0 : i32
          %add3A_300 = arith.addi %add3A_299, %mul3A_298 : i32
          %rem3A_301 = arith.constant 6 : i32
          %rem3A_302 = arith.remsi %add3A_300, %rem3A_301 : i32
          %get3A = arith.constant 0 : i32
          %get3A_303 = arith.constant 0 : i32
          %get3A_304 = tpu.memref_slice %run_scoped3A[%rem3A_207, %get3A, %get3A_303] : memref<2x48x128xf32, #tpu.memory_space<vmem>> -> memref<1x48x128xf32, #tpu.memory_space<vmem>>
          %get3A_305 = tpu.memref_squeeze %get3A_304 : memref<1x48x128xf32, #tpu.memory_space<vmem>> -> memref<48x128xf32, #tpu.memory_space<vmem>>
          %get3A_306 = arith.index_cast %add3A_300 : i32 to index
          %get3A_307 = arith.constant 0 : index
          %get3A_308 = tpu.vector_load %get3A_305[%get3A_306, %get3A_307] {strides = array<i32>} : memref<48x128xf32, #tpu.memory_space<vmem>>, vector<16xf32>,
          %get3A_309 = arith.constant 0 : i32
          %get3A_310 = arith.constant 0 : i32
          %get3A_311 = tpu.memref_slice %run_scoped3A[%rem3A_207, %get3A_309, %get3A_310] : memref<2x48x128xf32, #tpu.memory_space<vmem>> -> memref<1x48x128xf32, #tpu.memory_space<vmem>>
          %get3A_312 = tpu.memref_squeeze %get3A_311 : memref<1x48x128xf32, #tpu.memory_space<vmem>> -> memref<48x128xf32, #tpu.memory_space<vmem>>
          %get3A_313 = arith.index_cast %add3A_300 : i32 to index
          %get3A_314 = arith.constant 16 : index
          %get3A_315 = tpu.vector_load %get3A_312[%get3A_313, %get3A_314] {strides = array<i32>} : memref<48x128xf32, #tpu.memory_space<vmem>>, vector<16xf32>,
          %get3A_316 = arith.constant 0 : i32
          %get3A_317 = arith.constant 0 : i32
          %get3A_318 = tpu.memref_slice %run_scoped3A[%rem3A_207, %get3A_316, %get3A_317] : memref<2x48x128xf32, #tpu.memory_space<vmem>> -> memref<1x48x128xf32, #tpu.memory_space<vmem>>
          %get3A_319 = tpu.memref_squeeze %get3A_318 : memref<1x48x128xf32, #tpu.memory_space<vmem>> -> memref<48x128xf32, #tpu.memory_space<vmem>>
          %get3A_320 = arith.index_cast %add3A_300 : i32 to index
          %get3A_321 = arith.constant 32 : index
          %get3A_322 = tpu.vector_load %get3A_319[%get3A_320, %get3A_321] {strides = array<i32>} : memref<48x128xf32, #tpu.memory_space<vmem>>, vector<16xf32>,
          %get3A_323 = arith.constant 0 : i32
          %get3A_324 = arith.constant 0 : i32
          %get3A_325 = tpu.memref_slice %run_scoped3A[%rem3A_207, %get3A_323, %get3A_324] : memref<2x48x128xf32, #tpu.memory_space<vmem>> -> memref<1x48x128xf32, #tpu.memory_space<vmem>>
          %get3A_326 = tpu.memref_squeeze %get3A_325 : memref<1x48x128xf32, #tpu.memory_space<vmem>> -> memref<48x128xf32, #tpu.memory_space<vmem>>
          %get3A_327 = arith.index_cast %add3A_300 : i32 to index
          %get3A_328 = arith.constant 48 : index
          %get3A_329 = tpu.vector_load %get3A_326[%get3A_327, %get3A_328] {strides = array<i32>} : memref<48x128xf32, #tpu.memory_space<vmem>>, vector<16xf32>,
          %add3A_330 = arith.addf %get3A_308, %get3A_315 : vector<16xf32>
          %add3A_331 = arith.addf %get3A_322, %get3A_329 : vector<16xf32>
          %add3A_332 = arith.addf %add3A_330, %add3A_331 : vector<16xf32>
          %mul3A_333 = arith.mulf %get3A_308, %get3A_308 : vector<16xf32>
          %mul3A_334 = arith.mulf %get3A_315, %get3A_315 : vector<16xf32>
          %add3A_335 = arith.addf %mul3A_333, %mul3A_334 : vector<16xf32>
          %mul3A_336 = arith.mulf %get3A_322, %get3A_322 : vector<16xf32>
          %mul3A_337 = arith.mulf %get3A_329, %get3A_329 : vector<16xf32>
          %add3A_338 = arith.addf %mul3A_336, %mul3A_337 : vector<16xf32>
          %add3A_339 = arith.addf %add3A_335, %add3A_338 : vector<16xf32>
          %reduce_sum3A = arith.constant true
          %reduce_sum3A_340 = vector.broadcast %reduce_sum3A : i1 to vector<16xi1>
          %reduce_sum3A_341 = tpu.scan <sum>, %add3A_332 masked %reduce_sum3A_340 : vector<16xf32>, vector<16xi1> -> vector<16xf32>
          %reduce_sum3A_342 = vector.extract %reduce_sum3A_341[15] : f32 from vector<16xf32>
          %reduce_sum3A_343 = arith.constant true
          %reduce_sum3A_344 = vector.broadcast %reduce_sum3A_343 : i1 to vector<16xi1>
          %reduce_sum3A_345 = tpu.scan <sum>, %add3A_339 masked %reduce_sum3A_344 : vector<16xf32>, vector<16xi1> -> vector<16xf32>
          %reduce_sum3A_346 = vector.extract %reduce_sum3A_345[15] : f32 from vector<16xf32>
          %mul3A_347 = arith.constant 1.562500e-02 : f32
          %mul3A_348 = arith.mulf %reduce_sum3A_342, %mul3A_347 : f32
          %mul3A_349 = arith.constant 0.0158730168 : f32
          %mul3A_350 = arith.mulf %reduce_sum3A_346, %mul3A_349 : f32
          %mul3A_351 = arith.mulf %mul3A_348, %mul3A_348 : f32
          %mul3A_352 = arith.constant 1.01587307 : f32
          %mul3A_353 = arith.mulf %mul3A_352, %mul3A_351 : f32
          %sub3A_354 = arith.subf %mul3A_350, %mul3A_353 : f32
          %max3A = arith.constant 0.000000e+00 : f32
          %max3A_355 = arith.maximumf %sub3A_354, %max3A : f32
          %add3A_356 = arith.constant 1.000000e-30 : f32
          %add3A_357 = arith.addf %max3A_355, %add3A_356 : f32
          %bitcast_convert_type3A = arith.bitcast %add3A_357 : f32 to i32
          %shift_right_arithmetic3A = arith.constant 1 : i32
          %shift_right_arithmetic3A_358 = arith.shrsi %bitcast_convert_type3A, %shift_right_arithmetic3A : i32
          %sub3A_359 = arith.constant 1597463007 : i32
          %sub3A_360 = arith.subi %sub3A_359, %shift_right_arithmetic3A_358 : i32
          %bitcast_convert_type3A_361 = arith.bitcast %sub3A_360 : i32 to f32
          %mul3A_362 = arith.constant 5.000000e-01 : f32
          %mul3A_363 = arith.mulf %mul3A_362, %add3A_357 : f32
          %mul3A_364 = arith.mulf %bitcast_convert_type3A_361, %bitcast_convert_type3A_361 : f32
          %mul3A_365 = arith.mulf %mul3A_363, %mul3A_364 : f32
          %sub3A_366 = arith.constant 1.500000e+00 : f32
          %sub3A_367 = arith.subf %sub3A_366, %mul3A_365 : f32
          %mul3A_368 = arith.mulf %bitcast_convert_type3A_361, %sub3A_367 : f32
          %mul3A_369 = arith.constant 5.000000e-01 : f32
          %mul3A_370 = arith.mulf %mul3A_369, %add3A_357 : f32
          %mul3A_371 = arith.mulf %mul3A_368, %mul3A_368 : f32
          %mul3A_372 = arith.mulf %mul3A_370, %mul3A_371 : f32
          %sub3A_373 = arith.constant 1.500000e+00 : f32
          %sub3A_374 = arith.subf %sub3A_373, %mul3A_372 : f32
          %mul3A_375 = arith.mulf %mul3A_368, %sub3A_374 : f32
          %mul3A_376 = arith.constant 5.000000e-01 : f32
          %mul3A_377 = arith.mulf %mul3A_376, %add3A_357 : f32
          %mul3A_378 = arith.mulf %mul3A_375, %mul3A_375 : f32
          %mul3A_379 = arith.mulf %mul3A_377, %mul3A_378 : f32
          %sub3A_380 = arith.constant 1.500000e+00 : f32
          %sub3A_381 = arith.subf %sub3A_380, %mul3A_379 : f32
          %mul3A_382 = arith.mulf %mul3A_375, %sub3A_381 : f32
          %mul3A_383 = arith.mulf %add3A_357, %mul3A_382 : f32
          %get3A_384 = arith.index_cast %rem3A_302 : i32 to index
          %get3A_385 = arith.constant 0 : index
          %get3A_386 = tpu.vector_load %run_scoped3A_8[%get3A_384, %get3A_385] {strides = array<i32>} : memref<6x16xf32, #tpu.memory_space<vmem>>, vector<16xf32>,
          %get3A_387 = arith.index_cast %rem3A_302 : i32 to index
          %get3A_388 = arith.constant 0 : index
          %get3A_389 = tpu.vector_load %run_scoped3A_9[%get3A_387, %get3A_388] {strides = array<i32>} : memref<6x16xf32, #tpu.memory_space<vmem>>, vector<16xf32>,
          %add3A_390 = arith.constant 0.00999999977 : f32
          %add3A_391 = arith.addf %mul3A_383, %add3A_390 : f32
          %bitcast_convert_type3A_392 = arith.bitcast %add3A_391 : f32 to i32
          %sub3A_393 = arith.constant 2129859011 : i32
          %sub3A_394 = arith.subi %sub3A_393, %bitcast_convert_type3A_392 : i32
          %bitcast_convert_type3A_395 = arith.bitcast %sub3A_394 : i32 to f32
          %mul3A_396 = arith.mulf %add3A_391, %bitcast_convert_type3A_395 : f32
          %sub3A_397 = arith.constant 2.000000e+00 : f32
          %sub3A_398 = arith.subf %sub3A_397, %mul3A_396 : f32
          %mul3A_399 = arith.mulf %bitcast_convert_type3A_395, %sub3A_398 : f32
          %mul3A_400 = arith.mulf %add3A_391, %mul3A_399 : f32
          %sub3A_401 = arith.constant 2.000000e+00 : f32
          %sub3A_402 = arith.subf %sub3A_401, %mul3A_400 : f32
          %mul3A_403 = arith.mulf %mul3A_399, %sub3A_402 : f32
          %mul3A_404 = arith.mulf %add3A_391, %mul3A_403 : f32
          %sub3A_405 = arith.constant 2.000000e+00 : f32
          %sub3A_406 = arith.subf %sub3A_405, %mul3A_404 : f32
          %mul3A_407 = arith.mulf %mul3A_403, %sub3A_406 : f32
          %slice3A = vector.extract_strided_slice %get3A_386 {offsets = [0], sizes = [1], strides = [1]} : vector<16xf32> to vector<1xf32>
          %squeeze3A = vector.extract %slice3A[0] : f32 from vector<1xf32>
          %mul3A_408 = arith.mulf %squeeze3A, %mul3A_407 : f32
          %slice3A_409 = vector.extract_strided_slice %get3A_389 {offsets = [0], sizes = [1], strides = [1]} : vector<16xf32> to vector<1xf32>
          %squeeze3A_410 = vector.extract %slice3A_409[0] : f32 from vector<1xf32>
          %mul3A_411 = arith.mulf %mul3A_348, %mul3A_408 : f32
          %sub3A_412 = arith.subf %squeeze3A_410, %mul3A_411 : f32
          %mul3A_413 = vector.broadcast %mul3A_408 : f32 to vector<16xf32>
          %mul3A_414 = arith.mulf %get3A_308, %mul3A_413 : vector<16xf32>
          %add3A_415 = vector.broadcast %sub3A_412 : f32 to vector<16xf32>
          %add3A_416 = arith.addf %mul3A_414, %add3A_415 : vector<16xf32>
          %swap3A = arith.constant 0 : i32
          %swap3A_417 = arith.constant 0 : i32
          %swap3A_418 = tpu.memref_slice %run_scoped3A_10[%rem3A_209, %swap3A, %swap3A_417] : memref<2x48x128xf32, #tpu.memory_space<vmem>> -> memref<1x48x128xf32, #tpu.memory_space<vmem>>
          %swap3A_419 = tpu.memref_squeeze %swap3A_418 : memref<1x48x128xf32, #tpu.memory_space<vmem>> -> memref<48x128xf32, #tpu.memory_space<vmem>>
          %swap3A_420 = arith.index_cast %add3A_300 : i32 to index
          %swap3A_421 = arith.constant 0 : index
          %swap3A_422 = tpu.vector_load %swap3A_419[%swap3A_420, %swap3A_421] {strides = array<i32>} : memref<48x128xf32, #tpu.memory_space<vmem>>, vector<16xf32>,
          tpu.vector_store %swap3A_419[%swap3A_420, %swap3A_421], %add3A_416 {strides = array<i32>} : memref<48x128xf32, #tpu.memory_space<vmem>>, vector<16xf32>,
          %mul3A_423 = vector.broadcast %mul3A_408 : f32 to vector<16xf32>
          %mul3A_424 = arith.mulf %get3A_315, %mul3A_423 : vector<16xf32>
          %add3A_425 = vector.broadcast %sub3A_412 : f32 to vector<16xf32>
          %add3A_426 = arith.addf %mul3A_424, %add3A_425 : vector<16xf32>
          %swap3A_427 = arith.constant 0 : i32
          %swap3A_428 = arith.constant 0 : i32
          %swap3A_429 = tpu.memref_slice %run_scoped3A_10[%rem3A_209, %swap3A_427, %swap3A_428] : memref<2x48x128xf32, #tpu.memory_space<vmem>> -> memref<1x48x128xf32, #tpu.memory_space<vmem>>
          %swap3A_430 = tpu.memref_squeeze %swap3A_429 : memref<1x48x128xf32, #tpu.memory_space<vmem>> -> memref<48x128xf32, #tpu.memory_space<vmem>>
          %swap3A_431 = arith.index_cast %add3A_300 : i32 to index
          %swap3A_432 = arith.constant 16 : index
          %swap3A_433 = tpu.vector_load %swap3A_430[%swap3A_431, %swap3A_432] {strides = array<i32>} : memref<48x128xf32, #tpu.memory_space<vmem>>, vector<16xf32>,
          tpu.vector_store %swap3A_430[%swap3A_431, %swap3A_432], %add3A_426 {strides = array<i32>} : memref<48x128xf32, #tpu.memory_space<vmem>>, vector<16xf32>,
          %mul3A_434 = vector.broadcast %mul3A_408 : f32 to vector<16xf32>
          %mul3A_435 = arith.mulf %get3A_322, %mul3A_434 : vector<16xf32>
          %add3A_436 = vector.broadcast %sub3A_412 : f32 to vector<16xf32>
          %add3A_437 = arith.addf %mul3A_435, %add3A_436 : vector<16xf32>
          %swap3A_438 = arith.constant 0 : i32
          %swap3A_439 = arith.constant 0 : i32
          %swap3A_440 = tpu.memref_slice %run_scoped3A_10[%rem3A_209, %swap3A_438, %swap3A_439] : memref<2x48x128xf32, #tpu.memory_space<vmem>> -> memref<1x48x128xf32, #tpu.memory_space<vmem>>
          %swap3A_441 = tpu.memref_squeeze %swap3A_440 : memref<1x48x128xf32, #tpu.memory_space<vmem>> -> memref<48x128xf32, #tpu.memory_space<vmem>>
          %swap3A_442 = arith.index_cast %add3A_300 : i32 to index
          %swap3A_443 = arith.constant 32 : index
          %swap3A_444 = tpu.vector_load %swap3A_441[%swap3A_442, %swap3A_443] {strides = array<i32>} : memref<48x128xf32, #tpu.memory_space<vmem>>, vector<16xf32>,
          tpu.vector_store %swap3A_441[%swap3A_442, %swap3A_443], %add3A_437 {strides = array<i32>} : memref<48x128xf32, #tpu.memory_space<vmem>>, vector<16xf32>,
          %mul3A_445 = vector.broadcast %mul3A_408 : f32 to vector<16xf32>
          %mul3A_446 = arith.mulf %get3A_329, %mul3A_445 : vector<16xf32>
          %add3A_447 = vector.broadcast %sub3A_412 : f32 to vector<16xf32>
          %add3A_448 = arith.addf %mul3A_446, %add3A_447 : vector<16xf32>
          %swap3A_449 = arith.constant 0 : i32
          %swap3A_450 = arith.constant 0 : i32
          %swap3A_451 = tpu.memref_slice %run_scoped3A_10[%rem3A_209, %swap3A_449, %swap3A_450] : memref<2x48x128xf32, #tpu.memory_space<vmem>> -> memref<1x48x128xf32, #tpu.memory_space<vmem>>
          %swap3A_452 = tpu.memref_squeeze %swap3A_451 : memref<1x48x128xf32, #tpu.memory_space<vmem>> -> memref<48x128xf32, #tpu.memory_space<vmem>>
          %swap3A_453 = arith.index_cast %add3A_300 : i32 to index
          %swap3A_454 = arith.constant 48 : index
          %swap3A_455 = tpu.vector_load %swap3A_452[%swap3A_453, %swap3A_454] {strides = array<i32>} : memref<48x128xf32, #tpu.memory_space<vmem>>, vector<16xf32>,
          tpu.vector_store %swap3A_452[%swap3A_453, %swap3A_454], %add3A_448 {strides = array<i32>} : memref<48x128xf32, #tpu.memory_space<vmem>>, vector<16xf32>,
          %get3A_456 = arith.constant 0 : i32
          %get3A_457 = arith.constant 0 : i32
          %get3A_458 = tpu.memref_slice %run_scoped3A[%rem3A_207, %get3A_456, %get3A_457] : memref<2x48x128xf32, #tpu.memory_space<vmem>> -> memref<1x48x128xf32, #tpu.memory_space<vmem>>
          %get3A_459 = tpu.memref_squeeze %get3A_458 : memref<1x48x128xf32, #tpu.memory_space<vmem>> -> memref<48x128xf32, #tpu.memory_space<vmem>>
          %get3A_460 = arith.index_cast %add3A_300 : i32 to index
          %get3A_461 = arith.constant 64 : index
          %get3A_462 = tpu.vector_load %get3A_459[%get3A_460, %get3A_461] {strides = array<i32>} : memref<48x128xf32, #tpu.memory_space<vmem>>, vector<16xf32>,
          %get3A_463 = arith.constant 0 : i32
          %get3A_464 = arith.constant 0 : i32
          %get3A_465 = tpu.memref_slice %run_scoped3A[%rem3A_207, %get3A_463, %get3A_464] : memref<2x48x128xf32, #tpu.memory_space<vmem>> -> memref<1x48x128xf32, #tpu.memory_space<vmem>>
          %get3A_466 = tpu.memref_squeeze %get3A_465 : memref<1x48x128xf32, #tpu.memory_space<vmem>> -> memref<48x128xf32, #tpu.memory_space<vmem>>
          %get3A_467 = arith.index_cast %add3A_300 : i32 to index
          %get3A_468 = arith.constant 80 : index
          %get3A_469 = tpu.vector_load %get3A_466[%get3A_467, %get3A_468] {strides = array<i32>} : memref<48x128xf32, #tpu.memory_space<vmem>>, vector<16xf32>,
          %get3A_470 = arith.constant 0 : i32
          %get3A_471 = arith.constant 0 : i32
          %get3A_472 = tpu.memref_slice %run_scoped3A[%rem3A_207, %get3A_470, %get3A_471] : memref<2x48x128xf32, #tpu.memory_space<vmem>> -> memref<1x48x128xf32, #tpu.memory_space<vmem>>
          %get3A_473 = tpu.memref_squeeze %get3A_472 : memref<1x48x128xf32, #tpu.memory_space<vmem>> -> memref<48x128xf32, #tpu.memory_space<vmem>>
          %get3A_474 = arith.index_cast %add3A_300 : i32 to index
          %get3A_475 = arith.constant 96 : index
          %get3A_476 = tpu.vector_load %get3A_473[%get3A_474, %get3A_475] {strides = array<i32>} : memref<48x128xf32, #tpu.memory_space<vmem>>, vector<16xf32>,
          %get3A_477 = arith.constant 0 : i32
          %get3A_478 = arith.constant 0 : i32
          %get3A_479 = tpu.memref_slice %run_scoped3A[%rem3A_207, %get3A_477, %get3A_478] : memref<2x48x128xf32, #tpu.memory_space<vmem>> -> memref<1x48x128xf32, #tpu.memory_space<vmem>>
          %get3A_480 = tpu.memref_squeeze %get3A_479 : memref<1x48x128xf32, #tpu.memory_space<vmem>> -> memref<48x128xf32, #tpu.memory_space<vmem>>
          %get3A_481 = arith.index_cast %add3A_300 : i32 to index
          %get3A_482 = arith.constant 112 : index
          %get3A_483 = tpu.vector_load %get3A_480[%get3A_481, %get3A_482] {strides = array<i32>} : memref<48x128xf32, #tpu.memory_space<vmem>>, vector<16xf32>,
          %add3A_484 = arith.addf %get3A_462, %get3A_469 : vector<16xf32>
          %add3A_485 = arith.addf %get3A_476, %get3A_483 : vector<16xf32>
          %add3A_486 = arith.addf %add3A_484, %add3A_485 : vector<16xf32>
          %mul3A_487 = arith.mulf %get3A_462, %get3A_462 : vector<16xf32>
          %mul3A_488 = arith.mulf %get3A_469, %get3A_469 : vector<16xf32>
          %add3A_489 = arith.addf %mul3A_487, %mul3A_488 : vector<16xf32>
          %mul3A_490 = arith.mulf %get3A_476, %get3A_476 : vector<16xf32>
          %mul3A_491 = arith.mulf %get3A_483, %get3A_483 : vector<16xf32>
          %add3A_492 = arith.addf %mul3A_490, %mul3A_491 : vector<16xf32>
          %add3A_493 = arith.addf %add3A_489, %add3A_492 : vector<16xf32>
          %reduce_sum3A_494 = arith.constant true
          %reduce_sum3A_495 = vector.broadcast %reduce_sum3A_494 : i1 to vector<16xi1>
          %reduce_sum3A_496 = tpu.scan <sum>, %add3A_486 masked %reduce_sum3A_495 : vector<16xf32>, vector<16xi1> -> vector<16xf32>
          %reduce_sum3A_497 = vector.extract %reduce_sum3A_496[15] : f32 from vector<16xf32>
          %reduce_sum3A_498 = arith.constant true
          %reduce_sum3A_499 = vector.broadcast %reduce_sum3A_498 : i1 to vector<16xi1>
          %reduce_sum3A_500 = tpu.scan <sum>, %add3A_493 masked %reduce_sum3A_499 : vector<16xf32>, vector<16xi1> -> vector<16xf32>
          %reduce_sum3A_501 = vector.extract %reduce_sum3A_500[15] : f32 from vector<16xf32>
          %mul3A_502 = arith.constant 1.562500e-02 : f32
          %mul3A_503 = arith.mulf %reduce_sum3A_497, %mul3A_502 : f32
          %mul3A_504 = arith.constant 0.0158730168 : f32
          %mul3A_505 = arith.mulf %reduce_sum3A_501, %mul3A_504 : f32
          %mul3A_506 = arith.mulf %mul3A_503, %mul3A_503 : f32
          %mul3A_507 = arith.constant 1.01587307 : f32
          %mul3A_508 = arith.mulf %mul3A_507, %mul3A_506 : f32
          %sub3A_509 = arith.subf %mul3A_505, %mul3A_508 : f32
          %max3A_510 = arith.constant 0.000000e+00 : f32
          %max3A_511 = arith.maximumf %sub3A_509, %max3A_510 : f32
          %add3A_512 = arith.constant 1.000000e-30 : f32
          %add3A_513 = arith.addf %max3A_511, %add3A_512 : f32
          %bitcast_convert_type3A_514 = arith.bitcast %add3A_513 : f32 to i32
          %shift_right_arithmetic3A_515 = arith.constant 1 : i32
          %shift_right_arithmetic3A_516 = arith.shrsi %bitcast_convert_type3A_514, %shift_right_arithmetic3A_515 : i32
          %sub3A_517 = arith.constant 1597463007 : i32
          %sub3A_518 = arith.subi %sub3A_517, %shift_right_arithmetic3A_516 : i32
          %bitcast_convert_type3A_519 = arith.bitcast %sub3A_518 : i32 to f32
          %mul3A_520 = arith.constant 5.000000e-01 : f32
          %mul3A_521 = arith.mulf %mul3A_520, %add3A_513 : f32
          %mul3A_522 = arith.mulf %bitcast_convert_type3A_519, %bitcast_convert_type3A_519 : f32
          %mul3A_523 = arith.mulf %mul3A_521, %mul3A_522 : f32
          %sub3A_524 = arith.constant 1.500000e+00 : f32
          %sub3A_525 = arith.subf %sub3A_524, %mul3A_523 : f32
          %mul3A_526 = arith.mulf %bitcast_convert_type3A_519, %sub3A_525 : f32
          %mul3A_527 = arith.constant 5.000000e-01 : f32
          %mul3A_528 = arith.mulf %mul3A_527, %add3A_513 : f32
          %mul3A_529 = arith.mulf %mul3A_526, %mul3A_526 : f32
          %mul3A_530 = arith.mulf %mul3A_528, %mul3A_529 : f32
          %sub3A_531 = arith.constant 1.500000e+00 : f32
          %sub3A_532 = arith.subf %sub3A_531, %mul3A_530 : f32
          %mul3A_533 = arith.mulf %mul3A_526, %sub3A_532 : f32
          %mul3A_534 = arith.constant 5.000000e-01 : f32
          %mul3A_535 = arith.mulf %mul3A_534, %add3A_513 : f32
          %mul3A_536 = arith.mulf %mul3A_533, %mul3A_533 : f32
          %mul3A_537 = arith.mulf %mul3A_535, %mul3A_536 : f32
          %sub3A_538 = arith.constant 1.500000e+00 : f32
          %sub3A_539 = arith.subf %sub3A_538, %mul3A_537 : f32
          %mul3A_540 = arith.mulf %mul3A_533, %sub3A_539 : f32
          %mul3A_541 = arith.mulf %add3A_513, %mul3A_540 : f32
          %get3A_542 = arith.index_cast %rem3A_302 : i32 to index
          %get3A_543 = arith.constant 0 : index
          %get3A_544 = tpu.vector_load %run_scoped3A_8[%get3A_542, %get3A_543] {strides = array<i32>} : memref<6x16xf32, #tpu.memory_space<vmem>>, vector<16xf32>,
          %get3A_545 = arith.index_cast %rem3A_302 : i32 to index
          %get3A_546 = arith.constant 0 : index
          %get3A_547 = tpu.vector_load %run_scoped3A_9[%get3A_545, %get3A_546] {strides = array<i32>} : memref<6x16xf32, #tpu.memory_space<vmem>>, vector<16xf32>,
          %add3A_548 = arith.constant 0.00999999977 : f32
          %add3A_549 = arith.addf %mul3A_541, %add3A_548 : f32
          %bitcast_convert_type3A_550 = arith.bitcast %add3A_549 : f32 to i32
          %sub3A_551 = arith.constant 2129859011 : i32
          %sub3A_552 = arith.subi %sub3A_551, %bitcast_convert_type3A_550 : i32
          %bitcast_convert_type3A_553 = arith.bitcast %sub3A_552 : i32 to f32
          %mul3A_554 = arith.mulf %add3A_549, %bitcast_convert_type3A_553 : f32
          %sub3A_555 = arith.constant 2.000000e+00 : f32
          %sub3A_556 = arith.subf %sub3A_555, %mul3A_554 : f32
          %mul3A_557 = arith.mulf %bitcast_convert_type3A_553, %sub3A_556 : f32
          %mul3A_558 = arith.mulf %add3A_549, %mul3A_557 : f32
          %sub3A_559 = arith.constant 2.000000e+00 : f32
          %sub3A_560 = arith.subf %sub3A_559, %mul3A_558 : f32
          %mul3A_561 = arith.mulf %mul3A_557, %sub3A_560 : f32
          %mul3A_562 = arith.mulf %add3A_549, %mul3A_561 : f32
          %sub3A_563 = arith.constant 2.000000e+00 : f32
          %sub3A_564 = arith.subf %sub3A_563, %mul3A_562 : f32
          %mul3A_565 = arith.mulf %mul3A_561, %sub3A_564 : f32
          %slice3A_566 = vector.extract_strided_slice %get3A_544 {offsets = [1], sizes = [1], strides = [1]} : vector<16xf32> to vector<1xf32>
          %squeeze3A_567 = vector.extract %slice3A_566[0] : f32 from vector<1xf32>
          %mul3A_568 = arith.mulf %squeeze3A_567, %mul3A_565 : f32
          %slice3A_569 = vector.extract_strided_slice %get3A_547 {offsets = [1], sizes = [1], strides = [1]} : vector<16xf32> to vector<1xf32>
          %squeeze3A_570 = vector.extract %slice3A_569[0] : f32 from vector<1xf32>
          %mul3A_571 = arith.mulf %mul3A_503, %mul3A_568 : f32
          %sub3A_572 = arith.subf %squeeze3A_570, %mul3A_571 : f32
          %mul3A_573 = vector.broadcast %mul3A_568 : f32 to vector<16xf32>
          %mul3A_574 = arith.mulf %get3A_462, %mul3A_573 : vector<16xf32>
          %add3A_575 = vector.broadcast %sub3A_572 : f32 to vector<16xf32>
          %add3A_576 = arith.addf %mul3A_574, %add3A_575 : vector<16xf32>
          %swap3A_577 = arith.constant 0 : i32
          %swap3A_578 = arith.constant 0 : i32
          %swap3A_579 = tpu.memref_slice %run_scoped3A_10[%rem3A_209, %swap3A_577, %swap3A_578] : memref<2x48x128xf32, #tpu.memory_space<vmem>> -> memref<1x48x128xf32, #tpu.memory_space<vmem>>
          %swap3A_580 = tpu.memref_squeeze %swap3A_579 : memref<1x48x128xf32, #tpu.memory_space<vmem>> -> memref<48x128xf32, #tpu.memory_space<vmem>>
          %swap3A_581 = arith.index_cast %add3A_300 : i32 to index
          %swap3A_582 = arith.constant 64 : index
          %swap3A_583 = tpu.vector_load %swap3A_580[%swap3A_581, %swap3A_582] {strides = array<i32>} : memref<48x128xf32, #tpu.memory_space<vmem>>, vector<16xf32>,
          tpu.vector_store %swap3A_580[%swap3A_581, %swap3A_582], %add3A_576 {strides = array<i32>} : memref<48x128xf32, #tpu.memory_space<vmem>>, vector<16xf32>,
          %mul3A_584 = vector.broadcast %mul3A_568 : f32 to vector<16xf32>
          %mul3A_585 = arith.mulf %get3A_469, %mul3A_584 : vector<16xf32>
          %add3A_586 = vector.broadcast %sub3A_572 : f32 to vector<16xf32>
          %add3A_587 = arith.addf %mul3A_585, %add3A_586 : vector<16xf32>
          %swap3A_588 = arith.constant 0 : i32
          %swap3A_589 = arith.constant 0 : i32
          %swap3A_590 = tpu.memref_slice %run_scoped3A_10[%rem3A_209, %swap3A_588, %swap3A_589] : memref<2x48x128xf32, #tpu.memory_space<vmem>> -> memref<1x48x128xf32, #tpu.memory_space<vmem>>
          %swap3A_591 = tpu.memref_squeeze %swap3A_590 : memref<1x48x128xf32, #tpu.memory_space<vmem>> -> memref<48x128xf32, #tpu.memory_space<vmem>>
          %swap3A_592 = arith.index_cast %add3A_300 : i32 to index
          %swap3A_593 = arith.constant 80 : index
          %swap3A_594 = tpu.vector_load %swap3A_591[%swap3A_592, %swap3A_593] {strides = array<i32>} : memref<48x128xf32, #tpu.memory_space<vmem>>, vector<16xf32>,
          tpu.vector_store %swap3A_591[%swap3A_592, %swap3A_593], %add3A_587 {strides = array<i32>} : memref<48x128xf32, #tpu.memory_space<vmem>>, vector<16xf32>,
          %mul3A_595 = vector.broadcast %mul3A_568 : f32 to vector<16xf32>
          %mul3A_596 = arith.mulf %get3A_476, %mul3A_595 : vector<16xf32>
          %add3A_597 = vector.broadcast %sub3A_572 : f32 to vector<16xf32>
          %add3A_598 = arith.addf %mul3A_596, %add3A_597 : vector<16xf32>
          %swap3A_599 = arith.constant 0 : i32
          %swap3A_600 = arith.constant 0 : i32
          %swap3A_601 = tpu.memref_slice %run_scoped3A_10[%rem3A_209, %swap3A_599, %swap3A_600] : memref<2x48x128xf32, #tpu.memory_space<vmem>> -> memref<1x48x128xf32, #tpu.memory_space<vmem>>
          %swap3A_602 = tpu.memref_squeeze %swap3A_601 : memref<1x48x128xf32, #tpu.memory_space<vmem>> -> memref<48x128xf32, #tpu.memory_space<vmem>>
          %swap3A_603 = arith.index_cast %add3A_300 : i32 to index
          %swap3A_604 = arith.constant 96 : index
          %swap3A_605 = tpu.vector_load %swap3A_602[%swap3A_603, %swap3A_604] {strides = array<i32>} : memref<48x128xf32, #tpu.memory_space<vmem>>, vector<16xf32>,
          tpu.vector_store %swap3A_602[%swap3A_603, %swap3A_604], %add3A_598 {strides = array<i32>} : memref<48x128xf32, #tpu.memory_space<vmem>>, vector<16xf32>,
          %mul3A_606 = vector.broadcast %mul3A_568 : f32 to vector<16xf32>
          %mul3A_607 = arith.mulf %get3A_483, %mul3A_606 : vector<16xf32>
          %add3A_608 = vector.broadcast %sub3A_572 : f32 to vector<16xf32>
          %add3A_609 = arith.addf %mul3A_607, %add3A_608 : vector<16xf32>
          %swap3A_610 = arith.constant 0 : i32
          %swap3A_611 = arith.constant 0 : i32
          %swap3A_612 = tpu.memref_slice %run_scoped3A_10[%rem3A_209, %swap3A_610, %swap3A_611] : memref<2x48x128xf32, #tpu.memory_space<vmem>> -> memref<1x48x128xf32, #tpu.memory_space<vmem>>
          %swap3A_613 = tpu.memref_squeeze %swap3A_612 : memref<1x48x128xf32, #tpu.memory_space<vmem>> -> memref<48x128xf32, #tpu.memory_space<vmem>>
          %swap3A_614 = arith.index_cast %add3A_300 : i32 to index
          %swap3A_615 = arith.constant 112 : index
          %swap3A_616 = tpu.vector_load %swap3A_613[%swap3A_614, %swap3A_615] {strides = array<i32>} : memref<48x128xf32, #tpu.memory_space<vmem>>, vector<16xf32>,
          tpu.vector_store %swap3A_613[%swap3A_614, %swap3A_615], %add3A_609 {strides = array<i32>} : memref<48x128xf32, #tpu.memory_space<vmem>>, vector<16xf32>,
        }
        %scan3A_214 = arith.constant 48 : i32
        "tpu.trace_stop"() : () -> ()
        %ne3A_215 = arith.cmpi ne, %add3A_139, %add3A_157 : i32
        %or3A_216 = arith.constant false
        %or3A_217 = arith.ori %or3A_216, %ne3A_215 : i1
        %or3A_218 = arith.constant false
        %or3A_219 = arith.ori %or3A_217, %or3A_218 : i1
        %or3A_220 = arith.ori %or3A_219, %eq3A_138 : i1
        %convert_element_type3A_221 = arith.extui %or3A_220 : i1 to i32
        %cond3A_222 = arith.constant 0 : i32
        %cond3A_223 = arith.cmpi ne, %convert_element_type3A_221, %cond3A_222 : i32
        scf.if %cond3A_223 {
        } else {
        }
        %and3A_224 = arith.constant false
        %and3A_225 = arith.andi %or3A_220, %and3A_224 : i1
        %ne3A_226 = arith.cmpi ne, %add3A_139, %add3A_157 : i32
        %or3A_227 = arith.constant false
        %or3A_228 = arith.ori %or3A_227, %ne3A_226 : i1
        %or3A_229 = arith.constant false
        %or3A_230 = arith.ori %or3A_228, %or3A_229 : i1
        %or3A_231 = arith.ori %or3A_230, %eq3A_138 : i1
        %convert_element_type3A_232 = arith.extui %or3A_231 : i1 to i32
        %cond3A_233 = arith.constant 0 : i32
        %cond3A_234 = arith.cmpi ne, %convert_element_type3A_232, %cond3A_233 : i32
        scf.if %cond3A_234 {
          "tpu.trace_start"() <{level = 10 : i32, message = "ep_copy_out"}> : () -> ()
          %rem3A_296 = arith.constant 2 : i32
          %rem3A_297 = arith.remui %scan3A_132, %rem3A_296 : i32
          %mul3A_298 = arith.constant 48 : i32
          %mul3A_299 = arith.muli %mul3A_298, %add3A_139 : i32
          %dma_start3A_300 = arith.constant 0 : i32
          %dma_start3A_301 = arith.constant 0 : i32
          %dma_start3A_302 = tpu.memref_slice %run_scoped3A_10[%rem3A_297, %dma_start3A_300, %dma_start3A_301] : memref<2x48x128xf32, #tpu.memory_space<vmem>> -> memref<1x48x128xf32, #tpu.memory_space<vmem>>
          %dma_start3A_303 = tpu.memref_squeeze %dma_start3A_302 : memref<1x48x128xf32, #tpu.memory_space<vmem>> -> memref<48x128xf32, #tpu.memory_space<vmem>>
          %dma_start3A_304 = arith.constant 0 : i32
          %dma_start3A_305 = tpu.memref_slice %arg5[%mul3A_299, %dma_start3A_304] : memref<98304x128xf32, #tpu.memory_space<hbm>> -> memref<48x128xf32, #tpu.memory_space<hbm>>
          %dma_start3A_306 = tpu.memref_slice %run_scoped3A_11[%rem3A_297] : memref<2x!tpu.dma_semaphore, #tpu.memory_space<semaphore_mem>> -> memref<1x!tpu.dma_semaphore, #tpu.memory_space<semaphore_mem>>
          %dma_start3A_307 = tpu.memref_squeeze %dma_start3A_306 : memref<1x!tpu.dma_semaphore, #tpu.memory_space<semaphore_mem>> -> memref<!tpu.dma_semaphore, #tpu.memory_space<semaphore_mem>>
          %dma_start3A_308 = arith.constant 0 : i32
          %dma_start3A_309 = tpu.memref_slice %arg5[%mul3A_299, %dma_start3A_308] : memref<98304x128xf32, #tpu.memory_space<hbm>> -> memref<48x128xf32, #tpu.memory_space<hbm>>
          %dma_start3A_310 = arith.constant 0 : i32
          %dma_start3A_311 = arith.constant 0 : i32
          %dma_start3A_312 = tpu.memref_slice %run_scoped3A_10[%rem3A_297, %dma_start3A_310, %dma_start3A_311] : memref<2x48x128xf32, #tpu.memory_space<vmem>> -> memref<1x48x128xf32, #tpu.memory_space<vmem>>
          %dma_start3A_313 = tpu.memref_squeeze %dma_start3A_312 : memref<1x48x128xf32, #tpu.memory_space<vmem>> -> memref<48x128xf32, #tpu.memory_space<vmem>>
          tpu.enqueue_dma source(%dma_start3A_313 : memref<48x128xf32, #tpu.memory_space<vmem>>) target(%dma_start3A_309 : memref<48x128xf32, #tpu.memory_space<hbm>>) target_semaphore(%dma_start3A_307 : memref<!tpu.dma_semaphore, #tpu.memory_space<semaphore_mem>>)
          "tpu.trace_stop"() : () -> ()
        } else {
        }
        %and3A_235 = arith.constant true
        %and3A_236 = arith.andi %or3A_231, %and3A_235 : i1
        %add3A_237 = arith.constant 1 : i32
        %add3A_238 = arith.addi %scan3A_132, %add3A_237 : i32
        %select_n3A_239 = arith.select %and3A_236, %add3A_238, %scan3A_132 : i32
        %ne3A_240 = arith.cmpi ne, %add3A_139, %add3A_148 : i32
        %or3A_241 = arith.constant false
        %or3A_242 = arith.ori %or3A_241, %ne3A_240 : i1
        %or3A_243 = arith.constant false
        %or3A_244 = arith.ori %or3A_242, %or3A_243 : i1
        %not3A_245 = arith.constant true
        %not3A_246 = arith.xori %eq3A_136, %not3A_245 : i1
        %and3A_247 = arith.andi %or3A_244, %not3A_246 : i1
        %convert_element_type3A_248 = arith.extui %and3A_247 : i1 to i32
        %cond3A_249 = arith.constant 0 : i32
        %cond3A_250 = arith.cmpi ne, %convert_element_type3A_248, %cond3A_249 : i32
        scf.if %cond3A_250 {
        } else {
        }
        %and3A_251 = arith.constant false
        %and3A_252 = arith.andi %and3A_247, %and3A_251 : i1
        %ne3A_253 = arith.cmpi ne, %add3A_139, %add3A_148 : i32
        %or3A_254 = arith.constant false
        %or3A_255 = arith.ori %or3A_254, %ne3A_253 : i1
        %or3A_256 = arith.constant false
        %or3A_257 = arith.ori %or3A_255, %or3A_256 : i1
        %not3A_258 = arith.constant true
        %not3A_259 = arith.xori %eq3A_136, %not3A_258 : i1
        %and3A_260 = arith.andi %or3A_257, %not3A_259 : i1
        %convert_element_type3A_261 = arith.extui %and3A_260 : i1 to i32
        %cond3A_262 = arith.constant 0 : i32
        %cond3A_263 = arith.cmpi ne, %convert_element_type3A_261, %cond3A_262 : i32
        scf.if %cond3A_263 {
          "tpu.trace_start"() <{level = 10 : i32, message = "ep_wait_out"}> : () -> ()
          %rem3A_296 = arith.constant 2 : i32
          %rem3A_297 = arith.remui %scan3A_133, %rem3A_296 : i32
          %mul3A_298 = arith.constant 48 : i32
          %mul3A_299 = arith.muli %mul3A_298, %add3A_148 : i32
          %dma_wait3A_300 = arith.constant 0 : i32
          %dma_wait3A_301 = arith.constant 0 : i32
          %dma_wait3A_302 = tpu.memref_slice %run_scoped3A_10[%rem3A_297, %dma_wait3A_300, %dma_wait3A_301] : memref<2x48x128xf32, #tpu.memory_space<vmem>> -> memref<1x48x128xf32, #tpu.memory_space<vmem>>
          %dma_wait3A_303 = tpu.memref_squeeze %dma_wait3A_302 : memref<1x48x128xf32, #tpu.memory_space<vmem>> -> memref<48x128xf32, #tpu.memory_space<vmem>>
          %dma_wait3A_304 = arith.constant 0 : i32
          %dma_wait3A_305 = tpu.memref_slice %arg5[%mul3A_299, %dma_wait3A_304] : memref<98304x128xf32, #tpu.memory_space<hbm>> -> memref<48x128xf32, #tpu.memory_space<hbm>>
          %dma_wait3A_306 = tpu.memref_slice %run_scoped3A_11[%rem3A_297] : memref<2x!tpu.dma_semaphore, #tpu.memory_space<semaphore_mem>> -> memref<1x!tpu.dma_semaphore, #tpu.memory_space<semaphore_mem>>
          %dma_wait3A_307 = tpu.memref_squeeze %dma_wait3A_306 : memref<1x!tpu.dma_semaphore, #tpu.memory_space<semaphore_mem>> -> memref<!tpu.dma_semaphore, #tpu.memory_space<semaphore_mem>>
          %dma_wait3A_308 = arith.constant 0 : i32
          %dma_wait3A_309 = tpu.memref_slice %arg5[%mul3A_299, %dma_wait3A_308] : memref<98304x128xf32, #tpu.memory_space<hbm>> -> memref<48x128xf32, #tpu.memory_space<hbm>>
          %dma_wait3A_310 = arith.constant 0 : i32
          %dma_wait3A_311 = arith.constant 0 : i32
          %dma_wait3A_312 = tpu.memref_slice %run_scoped3A_10[%rem3A_297, %dma_wait3A_310, %dma_wait3A_311] : memref<2x48x128xf32, #tpu.memory_space<vmem>> -> memref<1x48x128xf32, #tpu.memory_space<vmem>>
          %dma_wait3A_313 = tpu.memref_squeeze %dma_wait3A_312 : memref<1x48x128xf32, #tpu.memory_space<vmem>> -> memref<48x128xf32, #tpu.memory_space<vmem>>
          tpu.wait_dma2 semaphore(%dma_wait3A_307 : memref<!tpu.dma_semaphore, #tpu.memory_space<semaphore_mem>>) src(%dma_wait3A_313 : memref<48x128xf32, #tpu.memory_space<vmem>>) dst(%dma_wait3A_309 : memref<48x128xf32, #tpu.memory_space<hbm>>)
          "tpu.trace_stop"() : () -> ()
        } else {
        }
        %and3A_264 = arith.constant true
        %and3A_265 = arith.andi %and3A_260, %and3A_264 : i1
        %add3A_266 = arith.constant 1 : i32
        %add3A_267 = arith.addi %scan3A_133, %add3A_266 : i32
        %select_n3A_268 = arith.select %and3A_265, %add3A_267, %scan3A_133 : i32
        %ne3A_269 = arith.cmpi ne, %add3A_139, %add3A_157 : i32
        %or3A_270 = arith.constant false
        %or3A_271 = arith.ori %or3A_270, %ne3A_269 : i1
        %or3A_272 = arith.constant false
        %or3A_273 = arith.ori %or3A_271, %or3A_272 : i1
        %or3A_274 = arith.ori %or3A_273, %eq3A_138 : i1
        %add3A_275 = arith.constant 1 : i32
        %add3A_276 = arith.addi %scan3A_129, %add3A_275 : i32
        %select_n3A_277 = arith.select %or3A_274, %add3A_276, %scan3A_129 : i32
        %or3A_278 = arith.constant false
        %or3A_279 = arith.ori %or3A_278, %eq3A_138 : i1
        %add3A_280 = arith.constant 1 : i32
        %add3A_281 = arith.addi %scan3A_130, %add3A_280 : i32
        %select_n3A_282 = arith.select %or3A_279, %add3A_281, %scan3A_130 : i32
        %or3A_283 = arith.constant false
        %or3A_284 = arith.ori %or3A_283, %eq3A_138 : i1
        %add3A_285 = arith.constant 1 : i32
        %add3A_286 = arith.addi %scan3A_131, %add3A_285 : i32
        %select_n3A_287 = arith.select %or3A_284, %add3A_286, %scan3A_131 : i32
        %add3A_288 = arith.constant 1 : i32
        %add3A_289 = arith.addi %scan3A_134, %add3A_288 : i32
        %select_n3A_290 = arith.constant true
        %select_n3A_291 = arith.select %select_n3A_290, %add3A_289, %scan3A_134 : i32
        %eq3A_292 = arith.constant 64 : i32
        %eq3A_293 = arith.cmpi eq, %select_n3A_291, %eq3A_292 : i32
        %select_n3A_294 = arith.constant 0 : i32
        %select_n3A_295 = arith.select %eq3A_293, %select_n3A_294, %select_n3A_291 : i32
        scf.yield %select_n3A_177, %select_n3A_277, %select_n3A_282, %select_n3A_287, %select_n3A_239, %select_n3A_268, %select_n3A_295 : i32, i32, i32, i32, i32, i32, i32
      }
      %scan3A_74 = arith.constant 64 : i32
      %sub3A = arith.constant 1 : i32
      %sub3A_75 = arith.subi %scan3A_73#6, %sub3A : i32
      %select_n3A_76 = arith.constant true
      %select_n3A_77 = arith.select %select_n3A_76, %sub3A_75, %scan3A_73#6 : i32
      %eq3A_78 = arith.constant -1 : i32
      %eq3A_79 = arith.cmpi eq, %select_n3A_77, %eq3A_78 : i32
      %select_n3A_80 = arith.constant 63 : i32
      %select_n3A_81 = arith.select %eq3A_79, %select_n3A_80, %select_n3A_77 : i32
      %add3A_82 = arith.addi %select_n3A_81, %mul3A_6 : i32
      %sub3A_83 = arith.constant 1 : i32
      %sub3A_84 = arith.subi %select_n3A_81, %sub3A_83 : i32
      %select_n3A_85 = arith.constant true
      %select_n3A_86 = arith.select %select_n3A_85, %sub3A_84, %select_n3A_81 : i32
      %eq3A_87 = arith.constant -1 : i32
      %eq3A_88 = arith.cmpi eq, %select_n3A_86, %eq3A_87 : i32
      %select_n3A_89 = arith.constant 63 : i32
      %select_n3A_90 = arith.select %eq3A_88, %select_n3A_89, %select_n3A_86 : i32
      %add3A_91 = arith.addi %select_n3A_90, %mul3A_6 : i32
      %add3A_92 = arith.constant 1 : i32
      %add3A_93 = arith.addi %select_n3A_81, %add3A_92 : i32
      %select_n3A_94 = arith.constant true
      %select_n3A_95 = arith.select %select_n3A_94, %add3A_93, %select_n3A_81 : i32
      %eq3A_96 = arith.constant 64 : i32
      %eq3A_97 = arith.cmpi eq, %select_n3A_95, %eq3A_96 : i32
      %select_n3A_98 = arith.constant 0 : i32
      %select_n3A_99 = arith.select %eq3A_97, %select_n3A_98, %select_n3A_95 : i32
      %add3A_100 = arith.addi %select_n3A_99, %mul3A_6 : i32
      %add3A_101 = arith.constant 1 : i32
      %add3A_102 = arith.addi %select_n3A_99, %add3A_101 : i32
      %select_n3A_103 = arith.constant true
      %select_n3A_104 = arith.select %select_n3A_103, %add3A_102, %select_n3A_99 : i32
      %eq3A_105 = arith.constant 64 : i32
      %eq3A_106 = arith.cmpi eq, %select_n3A_104, %eq3A_105 : i32
      %select_n3A_107 = arith.constant 0 : i32
      %select_n3A_108 = arith.select %eq3A_106, %select_n3A_107, %select_n3A_104 : i32
      %add3A_109 = arith.addi %select_n3A_108, %mul3A_6 : i32
      "tpu.trace_start"() <{level = 10 : i32, message = "ep_finalize"}> : () -> ()
      %rem3A_110 = arith.constant 2 : i32
      %rem3A_111 = arith.remui %scan3A_73#5, %rem3A_110 : i32
      %mul3A_112 = arith.constant 48 : i32
      %mul3A_113 = arith.muli %mul3A_112, %add3A_82 : i32
      %dma_wait3A = arith.constant 0 : i32
      %dma_wait3A_114 = arith.constant 0 : i32
      %dma_wait3A_115 = tpu.memref_slice %run_scoped3A_10[%rem3A_111, %dma_wait3A, %dma_wait3A_114] : memref<2x48x128xf32, #tpu.memory_space<vmem>> -> memref<1x48x128xf32, #tpu.memory_space<vmem>>
      %dma_wait3A_116 = tpu.memref_squeeze %dma_wait3A_115 : memref<1x48x128xf32, #tpu.memory_space<vmem>> -> memref<48x128xf32, #tpu.memory_space<vmem>>
      %dma_wait3A_117 = arith.constant 0 : i32
      %dma_wait3A_118 = tpu.memref_slice %arg5[%mul3A_113, %dma_wait3A_117] : memref<98304x128xf32, #tpu.memory_space<hbm>> -> memref<48x128xf32, #tpu.memory_space<hbm>>
      %dma_wait3A_119 = tpu.memref_slice %run_scoped3A_11[%rem3A_111] : memref<2x!tpu.dma_semaphore, #tpu.memory_space<semaphore_mem>> -> memref<1x!tpu.dma_semaphore, #tpu.memory_space<semaphore_mem>>
      %dma_wait3A_120 = tpu.memref_squeeze %dma_wait3A_119 : memref<1x!tpu.dma_semaphore, #tpu.memory_space<semaphore_mem>> -> memref<!tpu.dma_semaphore, #tpu.memory_space<semaphore_mem>>
      %dma_wait3A_121 = arith.constant 0 : i32
      %dma_wait3A_122 = tpu.memref_slice %arg5[%mul3A_113, %dma_wait3A_121] : memref<98304x128xf32, #tpu.memory_space<hbm>> -> memref<48x128xf32, #tpu.memory_space<hbm>>
      %dma_wait3A_123 = arith.constant 0 : i32
      %dma_wait3A_124 = arith.constant 0 : i32
      %dma_wait3A_125 = tpu.memref_slice %run_scoped3A_10[%rem3A_111, %dma_wait3A_123, %dma_wait3A_124] : memref<2x48x128xf32, #tpu.memory_space<vmem>> -> memref<1x48x128xf32, #tpu.memory_space<vmem>>
      %dma_wait3A_126 = tpu.memref_squeeze %dma_wait3A_125 : memref<1x48x128xf32, #tpu.memory_space<vmem>> -> memref<48x128xf32, #tpu.memory_space<vmem>>
      tpu.wait_dma2 semaphore(%dma_wait3A_120 : memref<!tpu.dma_semaphore, #tpu.memory_space<semaphore_mem>>) src(%dma_wait3A_126 : memref<48x128xf32, #tpu.memory_space<vmem>>) dst(%dma_wait3A_122 : memref<48x128xf32, #tpu.memory_space<hbm>>)
      "tpu.trace_stop"() : () -> ()
      tpu.yield
    }) : () -> ()
    return
  }
}

</mosaic_0001>

<sc_bundles>
// kernel: kernel.3.cloned.1.call-start
scs
__scs_entry_jumppad:
0x0: {  	(pc) =	sbr.rel $0x88, $3  }
0x1: {  	(tag) =	ssettag $0x0;
	lr =	simm.s32 $0x1  }
0x2: {  	[smem:$0x3F9E] =	sst lr;
	_ =	strace $0xD0000000  }
0x3: {  	_ = 	snop  }
0x4: {  	_ = 	snop  }
0x5: {  	_ = 	snop  }
0x6: {  	_ = 	snop  }
0x7: {  	_ = 	snop  }
__scs_overlays_trampoline_lowered:
0x8: {  	[smem:$0x3FAD] =	sst s0  }
0x9: {  	[smem:$0x3FAE] =	sst s1  }
0xa: {  	[smem:$0x3FAF] =	sst s2  }
0xb: {  	[smem:$0x3FB0] =	sst s3  }
0xc: {  	[smem:$0x3FB1] =	sst s4  }
0xd: {  	[smem:$0x3FB2] =	sst s5  }
0xe: {  	[smem:$0x3FB3] =	sst s6  }
0xf: {  	[smem:$0x3FB4] =	sst s7  }
0x10: {  	[smem:$0x3FB5] =	sst s8  }
0x11: {  	[smem:$0x3FB6] =	sst s9;
	s0 =	simm.s32 @!p0 $0x0  }
0x12: {  	s1 =	sld [smem:$0x3F9C];
	s0 =	simm.s32 @p0 $0x1  }
0x13: {  	[smem:$0x3FB7] =	sst s0;
	s0 =	simm.s32 @!p1 $0x0  }
0x14: {  	s2 =	sld [smem:$0x3F9B];
	s0 =	simm.s32 @p1 $0x1  }
0x15: {  	[smem:$0x3FB8] =	sst s0;
	s0 =	simm.s32 @!p2 $0x0  }
0x16: {  	s3 =	sld [smem:$0x3FDB];
	s0 =	simm.s32 @p2 $0x1  }
0x17: {  	s4 =	simm.s32 $0x1BF5;
	[smem:$0x3FBA] =	sst s0  }
0x18: {  	s0 =	sld [smem:$0x3F9D];
	_ =	swait.ge [sflag:s4], $0x0  }
0x19: {  	s7 =	sld [smem:$0x3F9E]  }
0x1a: {  	s8 =	sadd.s32 $0xFFFFE003, lr  }
0x1b: {  	s9 =	sadd.s32 $0xFFFFFEF7, lr;
	s5 =	simm.s32 $0xFFFFFFFF;
	p2 =	slt.u32 s8, $0xFFFFF086  }
0x1c: {  	p1 =	slt.u32 s9, $0xF7A;
	s5 =	simm.s32 @!p2 $0x0  }
0x1d: {  	s5 =	simm.s32 @p1 $0x1;
	p0 =	seq.s32 s7, s2  }
0x1e: {  	s7 =	smul.u32 @!p0 $0xF7A, s2;
	p2 =	seq.s32 @!p0 s5, $0x0  }
0x1f: {  	s9 =	smul.u32 $0xF7A, s1;
	s8 =	simm.s32 @!p0 $0x1BF5;
	p2 =	por !p2, p0  }
0x20: {  	[sflag:s8] =	ssyncset.s32 @!p0 $0xFFFFF086;
	s6 =	sadd.s32 @!p0 s3, s7;
	s7 =	simm.s32 @!p0 $0x108  }
0x21: {  	s3 =	sadd.s32 s3, s9;
	s6 =	sadd.s32 @!p0 $0x88, s6;
	s7 =	simm.s32 @p2 $0x1082  }
0x22: {  	[simem:s7], [sflag:s8] =	dma.local @!p0 [hbm:s6], $0xF7A  }
0x23: {  	s9 =	sor.u32 $0xD0000000, s2;
	s6 =	simm.s32 $0x108;
	_ =	swait.ge @!p0 [sflag:s8], $0x0  }
0x24: {  	s3 =	sadd.s32 $0x88, s3;
	s6 =	simm.s32 @!p1 $0x1082;
	[sflag:s4] =	ssyncset.s32 $0xFFFFF086  }
0x25: {  	[simem:s6], [sflag:s4] =	dma.local [hbm:s3], $0xF7A  }
0x26: {  	[smem:$0x3F9E] =	sst s1;
	(tag) =	ssettag s2;
	_ =	strace s9  }
0x27: {  	s1 =	sld [smem:$0x3FAE]  }
0x28: {  	s2 =	sld [smem:$0x3FAF]  }
0x29: {  	s4 =	sld [smem:$0x3FB1]  }
0x2a: {  	p0 =	seq.s32 s5, $0x0;
	s5 =	sld [smem:$0x3FB2]  }
0x2b: {  	s6 =	sld [smem:$0x3FB3]  }
0x2c: {  	s7 =	sld [smem:$0x3FB4]  }
0x2d: {  	s3 =	simm.s32 $0x108;
	s8 =	sld [smem:$0x3FB5]  }
0x2e: {  	s3 =	simm.s32 @!p0 $0x1082;
	s9 =	sld [smem:$0x3FB6]  }
0x2f: {  	lr =	sadd.s32 s0, s3;
	s0 =	sld [smem:$0x3FAD]  }
0x30: {  	s3 =	sld [smem:$0x3FB0]  }
0x31: {  	[smem:$0x3FB9] =	sst s10  }
0x32: {  	s10 =	sld [smem:$0x3FB7];
	_ =	sdelay $0x3  }
0x33: {  	p0 =	seq.s32 s10, $0x1;
	s10 =	sld [smem:$0x3FB9];
	_ =	sdelay $0x3  }
0x34: {  	[smem:$0x3FB9] =	sst s10  }
0x35: {  	s10 =	sld [smem:$0x3FB8];
	_ =	sdelay $0x3  }
0x36: {  	p1 =	seq.s32 s10, $0x1;
	s10 =	sld [smem:$0x3FB9];
	_ =	sdelay $0x3  }
0x37: {  	[smem:$0x3FB9] =	sst s10  }
0x38: {  	s10 =	sld [smem:$0x3FBA]  }
0x39: {  	_ = 	snop;
	(pc) =	sbr.ind lr, $3  }
0x3a: {  	_ = 	snop  }
0x3b: {  	_ = 	snop  }
0x3c: {  	p2 =	seq.s32 s10, $0x1;
	s10 =	sld [smem:$0x3FB9]  }
0x3d: {  	_ =	shalt  }
0x3e: {  	_ =	shalt  }
0x3f: {  	_ =	shalt  }
0x40: {  	_ =	shalt  }
0x41: {  	_ =	shalt  }
0x42: {  	_ =	shalt  }
0x43: {  	_ =	shalt  }
0x44: {  	_ =	shalt  }
0x45: {  	_ =	shalt  }
0x46: {  	_ =	shalt  }
0x47: {  	_ =	shalt  }
0x48: {  	_ =	shalt  }
0x49: {  	_ =	shalt  }
0x4a: {  	_ =	shalt  }
0x4b: {  	_ =	shalt  }
0x4c: {  	_ =	shalt  }
0x4d: {  	_ =	shalt  }
0x4e: {  	_ =	shalt  }
0x4f: {  	_ =	shalt  }
0x50: {  	_ =	shalt  }
0x51: {  	_ =	shalt  }
0x52: {  	_ =	shalt  }
0x53: {  	_ =	shalt  }
0x54: {  	_ =	shalt  }
0x55: {  	_ =	shalt  }
0x56: {  	_ =	shalt  }
0x57: {  	_ =	shalt  }
0x58: {  	_ =	shalt  }
0x59: {  	_ =	shalt  }
0x5a: {  	_ =	shalt  }
0x5b: {  	_ =	shalt  }
0x5c: {  	_ =	shalt  }
0x5d: {  	_ =	shalt  }
0x5e: {  	_ =	shalt  }
0x5f: {  	_ =	shalt  }
0x60: {  	_ =	shalt  }
0x61: {  	_ =	shalt  }
0x62: {  	_ =	shalt  }
0x63: {  	_ =	shalt  }
0x64: {  	_ =	shalt  }
0x65: {  	_ =	shalt  }
0x66: {  	_ =	shalt  }
0x67: {  	_ =	shalt  }
0x68: {  	_ =	shalt  }
0x69: {  	_ =	shalt  }
0x6a: {  	_ =	shalt  }
0x6b: {  	_ =	shalt  }
0x6c: {  	_ =	shalt  }
0x6d: {  	_ =	shalt  }
0x6e: {  	_ =	shalt  }
0x6f: {  	_ =	shalt  }
0x70: {  	_ =	shalt  }
0x71: {  	_ =	shalt  }
0x72: {  	_ =	shalt  }
0x73: {  	_ =	shalt  }
0x74: {  	_ =	shalt  }
0x75: {  	_ =	shalt  }
0x76: {  	_ =	shalt  }
0x77: {  	_ =	shalt  }
0x78: {  	_ =	shalt  }
0x79: {  	_ =	shalt  }
0x7a: {  	_ =	shalt  }
0x7b: {  	_ =	shalt  }
0x7c: {  	_ =	shalt  }
0x7d: {  	_ =	shalt  }
0x7e: {  	_ =	shalt  }
0x7f: {  	_ =	shalt  }
0x80: {  	_ =	shalt  }
0x81: {  	_ =	shalt  }
0x82: {  	_ =	shalt  }
0x83: {  	_ =	shalt  }
0x84: {  	_ =	shalt  }
0x85: {  	_ =	shalt  }
0x86: {  	_ =	shalt  }
0x87: {  	_ =	shalt  }
.Lfunc_end0:
.L_simem_size_0:
called_computation_lowered:
.L_overlay_start_0:
0x88: {  	s2 =	sld [smem:$0x3FD9]  }
0x89: {  	s3 =	sld [smem:$0x3FFE];
	_ =	sdelay $0x1  }
0x8a: {  	s1 =	srdreg.scid  }
0x8b: {  	s0 =	sand.u32 $0x1, s1  }
0x8c: {  	s17 =	sshll.u32 s0, $0xA;
	s2 =	sadd.s32 s3, s2  }
0x8d: {  	s2 =	sadd.s32 s2, s17  }
0x8e: {  	[smem:$0x3FC5] =	sst s2  }
0x8f: {  	_ = 	snop  }
0x90: {  	s2 =	sld [smem:$0x3FC9]  }
0x91: {  	s18 =	sld [smem:$0x3FD0];
	(tm) =	ssettm $0x1  }
0x92: {  	s4 =	sld [smem:$0x3FFB];
	_ =	sdelay $0x3  }
0x93: {  	_ =	strace s4  }
0x94: {  	s4 =	sld [smem:$0x3FFC];
	_ =	sdelay $0x3  }
0x95: {  	_ =	strace s4  }
0x96: {  	s4 =	sld [smem:$0x3FFD];
	_ =	sdelay $0x3  }
0x97: {  	_ =	strace s4  }
0x98: {  	_ =	strace $0x8FFFFFFF  }
0x99: {  	s19 =	sld [smem:$0x3FDB];
	_ =	sdelay $0x1  }
0x9a: {  	s5 =	simm.s32 $_scs_section_size  }
0x9b: {  	s6 =	simm.s32 $_size__tile_overlayer_lowered;
	s7 =	simm.s32 $_tile_overlayer_lowered  }
0x9c: {  	s22 =	simm.s32 $0x1BFF;
	s21 =	sshll.u32 s7, $0x1;
	s4 =	sadd.s32 s5, s19  }
0x9d: {  	s8 =	simm.s32 $0x0;
	s20 =	sshll.u32 s6, $0x1;
	s6 =	sadd.s32 s21, s4  }
0x9e: {  	[timem:s8], [sflag:s22] =	dma.local [hbm:s6], s20  }
0x9f: {  	_ =	swait.ge [sflag:s22], s20  }
0xa0: {  	s5 =	ssub.s32 $0x0, s20;
	[sflag:s22] =	ssyncset.done $0x0  }
0xa1: {  	[sflag:s22] =	ssyncadd.s32 s5;
	_ =	sdelay $0x1  }
0xa2: {  	s23 =	simm.s32 $0x1B8B  }
0xa3: {  	_ =	swait.ge [sflag:s23], $0x1  }
0xa4: {  	[sflag:s23] =	ssyncset.done $0x0  }
0xa5: {  	s25 =	simm.s32 $0x1B8E;
	s24 =	sld [smem:$0x3FFE];
	[sflag:s23] =	ssyncadd.s32 $0xFFFFFFFF  }
0xa6: {  	s26 =	simm.s32 $execute0_lowered;
	[smem:$0x3FD2] =	sst s25  }
0xa7: {  	s6 =	sshll.u32 s26, $0x1;
	_ =	strace $0x80000046;
	[dreg:$0x1] =	wrdreg $0xFFFFFFFF  }
0xa8: {  	s28 =	simm.s32 $_size_execute0_lowered;
	s4 =	sadd.s32 s4, s6;
	[dreg:$0x0] =	wrdreg $0x0  }
0xa9: {  	s6 =	sshll.u32 s28, $0x1;
	[dreg:$0x2] =	wrdreg s4  }
0xaa: {  	[dreg:$0x3] =	wrdreg s6  }
0xab: {  	[dreg:$0x4] =	wrdreg $0xC0  }
0xac: {  	_ =	task [dreg:s8], $0x5FFFF  }
0xad: {  	[dreg:$0x1] =	wrdreg $0xFFFFFFFF  }
0xae: {  	[dreg:$0x0] =	wrdreg $0x60  }
0xaf: {  	[dreg:$0x2] =	wrdreg s2  }
0xb0: {  	[dreg:$0x3] =	wrdreg s24  }
0xb1: {  	[dreg:$0x4] =	wrdreg s18  }
0xb2: {  	[dreg:$0x5] =	wrdreg $0x9  }
0xb3: {  	_ =	task.clear_ibuf [dreg:s8], $0x6FFFF;
	_ =	strace $0x90000046  }
0xb4: {  	s29 =	simm.s32 $0x9;
	_ =	strace $0x8000004F  }
0xb5: {  	_ =	swait.ge [sflag:s29], $0x1  }
0xb6: {  	[sflag:s29] =	ssyncadd.s32 $0xFFFFFFFF  }
0xb7: {  	_ =	strace $0x9000004F  }
0xb8: {  	_ =	sfence  }
0xb9: {  	s30 =	sld [smem:$0x0];
	_ =	sdelay $0x2  }
0xba: {  	s31 =	sshll.u32 s1, $0xD;
	s1 =	sshrl.u32 s1, $0x2  }
0xbb: {  	s3 =	sand.u32 $0x4000, s31;
	s1 =	sadd.s32 s1, s30  }
0xbc: {  	s0 =	sor.u32 s3, s0;
	s1 =	sshll.u32 s1, $0x11  }
0xbd: {  	s0 =	sor.u32 s1, s0  }
0xbe: {  	s0 =	sadd.s32 $0x8F2B, s0  }
0xbf: {  	[sflag:s0] =	ssyncadd.remote.s32 $0x1  }
0xc0: {  	_ =	sfence.sel $0xFFFF  }
0xc1: {  	[dreg:$0x0] =	wrdreg $0xFFFFFFFF;
	(pc) =	sbr.abs _section_cstart, $3  }
0xc2: {  	[dreg:$0x1] =	wrdreg $0xFFFFFFFF  }
0xc3: {  	_ =	task.clear_ibuf [dreg:s8], $0x2FFFF;
	_ =	strace $0x9FFFFFFF  }
0xc4: {  	(tm) =	ssettm $0x7FFFFFFF  }
0xc5: {  	_ =	shalt  }
tec
execute0_lowered:
.L_overlay_start_1:
0x0: {  	(tag) =	ssettag $0x1  }
0x1: {  	s1 =	rddreg [dreg:$0x0]  }
0x2: {  	s0 =	rddreg [dreg:$0x1]  }
0x3: {  	s2 =	rddreg [dreg:$0x2];
	s3 =	srdreg.scid;
	s4 =	simm.s32 $0x0  }
0x4: {  	s30 =	stileid.u32;
	s11 =	simm.s32 $0x5;
	s5 =	sand.u32 $0x1, s3  }
0x5: {  	s13 =	simm.s32 $0x4;
	s14 =	simm.s32 $0x0;
	s6 =	sshll.u32 s5, $0x4  }
0x6: {  	[smem:$0x7FF] =	sst s4;
	s8 =	ssub.s32 $0x2, s5;
	s7 =	sor.u32 s30, s6  }
0x7: {  	_ =	strace $0x80000047;
	s31 =	sshrl.u32 s8, $0x1;
	s9 =	smul.u32 $0xC000, s7  }
0x8: {  	s5 =	sadd.s32 $0x400, s0;
	s6 =	sadd.s32 $0x600, s0;
	s0 =	ssub.s32 s8, s31  }
0x9: {  	s7 =	sshll.u32 s7, $0x6;
	s8 =	sadd.s32 s1, s9;
	s9 =	smax.u32 s0, $0x1  }
.LBB2_1:
0xa: {  	s0 =	simm.s32 $0x3000  }
0xb: {  	[tilespmem:s0], [sflag:$0x5] =	stream.linear.gather [hbm4b:s5+s4], $0x300, $0x38;
	[tilespmem:$0x6600] =	vst v63  }
0xc: {  	_ =	swait.ge [sflag:s11], $0x300  }
0xd: {  	[sflag:s11] =	ssyncset.done $0x0  }
0xe: {  	s31 =	simm.s32 $0x3300;
	[sflag:s11] =	ssyncadd.s32 $0xFFFFFD00  }
0xf: {  	[tilespmem:s31], [sflag:$0x5] =	stream.linear.gather [hbm4b:s6+s4], $0x300, $0x38;
	[tilespmem:$0x6600] =	vst v63  }
0x10: {  	_ =	swait.ge [sflag:s11], $0x300  }
0x11: {  	[sflag:s11] =	ssyncset.done $0x0  }
0x12: {  	s15 =	simm.s32 $0x0;
	s16 =	simm.s32 $0x0;
	[sflag:s11] =	ssyncadd.s32 $0xFFFFFD00  }
0x13: {  	s17 =	simm.s32 $0x0;
	s18 =	simm.s32 $0x0;
	_ =	strace $0x80000048  }
0x14: {  	[tilespmem:s4], [sflag:$0x1] =	stream.linear.gather [hbm4b:s8+s4], $0x1800, $0x200038;
	[tilespmem:$0x6600] =	vst v63  }
0x15: {  	s19 =	simm.s32 $0x1;
	s20 =	simm.s32 $0x0;
	_ =	strace $0x90000048  }
.LBB2_2:
0x16: {  	s24 =	smov.u32 s15;
	s15 =	sadd.s32 $0x1, s15  }
0x17: {  	p0 =	seq.s32 s15, $0x40  }
0x18: {  	s15 =	simm.s32 @p0 $0x0  }
0x19: {  	p6 =	sne.s32 s20, $0x3F;
	p1 =	sne.s32 s24, s15  }
0x1a: {  	p0 =	por !p6, !p1  }
0x1b: {  	p0 =	por !p0, !p0  }
0x1c: {  	s0 =	sadd.s32 @p0 s7, s15  }
0x1d: {  	s21 =	sand.u32 @p0 $0x1, s19;
	s0 =	smul.u32 @p0 $0x1800, s0  }
0x1e: {  	s22 =	smul.u32 @p0 $0x6000, s21  }
0x1f: {  	_ =	strace @p0 $0x80000049;
	s23 =	simm.s32 @p0 $0x0;
	s0 =	sshrl.u32 @p0 s0, $0x3  }
0x20: {  	s21 =	sadd.s32 @p0 $0x1, s21;
	s22 =	sshrl.u32 @p0 s22, $0x2;
	s0 =	sadd.s32 @p0 s1, s0  }
0x21: {  	[tilespmem:s22], [sflag:s21] =	stream.linear.gather @p0 [hbm4b:s0+s23], $0x1800, $0x200038;
	[tilespmem:$0x6600] =	vst v63  }
0x22: {  	s23 =	sand.u32 $0x1, s18;
	_ =	strace @p0 $0x90000049  }
0x23: {  	s25 =	sadd.s32 $0x1, s23;
	_ =	strace $0x8000004A  }
0x24: {  	_ =	swait.ge [sflag:s25], $0x1800  }
0x25: {  	[sflag:s25] =	ssyncset.done $0x0  }
0x26: {  	[sflag:s25] =	ssyncadd.s32 $0xFFFFE800  }
0x27: {  	s21 =	simm.s32 $0x1840;
	p2 =	seq.s32 s23, $0x1;
	_ =	strace $0x9000004A  }
0x28: {  	s21 =	simm.s32 @!p2 $0x40;
	_ =	strace $0x8000004B  }
0x29: {  	v0 =	vld [tilespmem:s21+$0xFFFFFFD0]  }
0x2a: {  	v1 =	vld [tilespmem:s21+$0xFFFFFFC0]  }
0x2b: {  	v2 =	vld [tilespmem:s21+$0xFFFFFFE0]  }
0x2c: {  	v3 =	vld [tilespmem:s21+$0xFFFFFFF0];
	_ =	sdelay $0x3  }
0x2d: {  	v4 =	vadd.f32 v0, v1  }
0x2e: {  	v5 =	vmul.f32 v1, v1;
	v6 =	vmul.f32 v0, v0;
	v7 =	vadd.f32 v3, v2  }
0x2f: {  	v8 =	vmul.f32 v2, v2;
	v9 =	vmul.f32 v3, v3  }
0x30: {  	v4 =	vadd.f32 v7, v4  }
0x31: {  	v5 =	vadd.f32 v6, v5;
	v6 =	vadd.f32 v9, v8  }
0x32: {  	(xrf2) =	vadd.scan.msk.f32 $0xffff, v4  }
0x33: {  	v4 =	vadd.f32 v6, v5;
	_ =	sdelay $0x1  }
0x34: {  	(xrf2) =	vadd.scan.msk.f32 $0xffff, v4;
	_ =	sdelay $0x6  }
0x35: {  	v4, _, _ =	vpop (xrf2)  }
0x36: {  	(v2sf) =	vpush v4, $0xF;
	_ =	sdelay $0x1  }
0x37: {  	v4, _, _ =	vpop (xrf2)  }
0x38: {  	(v2sf) =	vpush v4, $0xF;
	_ =	sdelay $0xb  }
0x39: {  	s26 =	spop (v2sf)  }
0x3a: {  	s0 =	smul.f32 $1.562500000e-02, s26;
	_ =	sdelay $0x1  }
0x3b: {  	s3 =	spop (v2sf);
	s29 =	smul.f32 s0, s0  }
0x3c: {  	s23 =	smul.f32 $1.587301680e-02, s3  }
0x3d: {  	s22 =	smul.f32 $1.015873070e+00, s29;
	_ =	sdelay $0x1  }
0x3e: {  	s22 =	ssub.f32 s23, s22;
	_ =	sdelay $0x1  }
0x3f: {  	s22 =	smax.f32 s22, $0.0e+00  }
0x40: {  	s22 =	sadd.f32 $1.000000000e-30, s22;
	_ =	sdelay $0x1  }
0x41: {  	s10 =	sshra.s32 s22, $0x1  }
0x42: {  	s25 =	smul.f32 $5.000000000e-01, s22;
	s23 =	ssub.s32 $0x5F3759DF, s10  }
0x43: {  	s26 =	smul.f32 s23, s23;
	_ =	sdelay $0x1  }
0x44: {  	s26 =	smul.f32 s26, s25;
	_ =	sdelay $0x1  }
0x45: {  	s26 =	ssub.f32 $1.500000000e+00, s26;
	_ =	sdelay $0x1  }
0x46: {  	s23 =	smul.f32 s23, s26;
	_ =	sdelay $0x1  }
0x47: {  	s26 =	smul.f32 s23, s23;
	_ =	sdelay $0x1  }
0x48: {  	s26 =	smul.f32 s26, s25;
	_ =	sdelay $0x1  }
0x49: {  	s26 =	ssub.f32 $1.500000000e+00, s26;
	_ =	sdelay $0x1  }
0x4a: {  	s28 =	simm.s32 $0x0;
	s23 =	smul.f32 s26, s23  }
0x4b: {  	s12 =	smul.u32 $0xAB, s28  }
0x4c: {  	s28 =	smul.f32 s23, s23;
	_ =	sdelay $0x1  }
0x4d: {  	s26 =	sshrl.u32 s12, $0xA;
	s25 =	smul.f32 s28, s25  }
0x4e: {  	s26 =	sand.u32 $0x3F, s26  }
0x4f: {  	s26 =	smul.u32 $0x6, s26;
	s25 =	ssub.f32 $1.500000000e+00, s25  }
0x50: {  	_ = 	snop  }
0x51: {  	s26 =	ssub.s32 $0x0, s26;
	s23 =	smul.f32 s25, s23  }
0x52: {  	s29 =	sand.u32 $0xFF, s26  }
0x53: {  	s26 =	sshll.u32 s29, $0x7;
	s22 =	smul.f32 s23, s22  }
0x54: {  	s25 =	sor.u32 $0x3000, s26  }
0x55: {  	v4 =	vld [tilespmem:s25+$0x0];
	s22 =	sadd.f32 $9.999999770e-03, s22;
	_ =	sdelay $0x1  }
0x56: {  	s3 =	ssub.s32 $0x7EF311C3, s22  }
0x57: {  	s28 =	smul.f32 s3, s22  }
0x58: {  	v5 =	vld [tilespmem:s26+$0x3300]  }
0x59: {  	(v2sf) =	vpush v4, $0x0;
	s28 =	ssub.f32 $2.000000000e+00, s28;
	_ =	sdelay $0x1  }
0x5a: {  	s23 =	smul.f32 s3, s28;
	_ =	sdelay $0x1  }
0x5b: {  	(v2sf) =	vpush v5, $0x0;
	s28 =	smul.f32 s23, s22;
	_ =	sdelay $0x1  }
0x5c: {  	s28 =	ssub.f32 $2.000000000e+00, s28;
	_ =	sdelay $0x1  }
0x5d: {  	s23 =	smul.f32 s28, s23;
	_ =	sdelay $0x1  }
0x5e: {  	s22 =	smul.f32 s23, s22;
	_ =	sdelay $0x1  }
0x5f: {  	s22 =	ssub.f32 $2.000000000e+00, s22;
	_ =	sdelay $0x1  }
0x60: {  	s22 =	smul.f32 s22, s23  }
0x61: {  	s10 =	spop (v2sf)  }
0x62: {  	s29 =	smul.f32 s22, s10;
	_ =	sdelay $0x1  }
0x63: {  	s0 =	smul.f32 s29, s0  }
0x64: {  	s12 =	spop (v2sf);
	s22 =	sand.u32 $0x1, s17  }
0x65: {  	s28 =	smul.u32 $0x6000, s22;
	v1 =	vmul.f32 s29, v1;
	s0 =	ssub.f32 s12, s0  }
0x66: {  	v0 =	vmul.f32 s29, v0  }
0x67: {  	v3 =	vmul.f32 s29, v3;
	s28 =	sshrl.u32 s28, $0x2;
	v1 =	vadd.f32 s0, v1  }
0x68: {  	v2 =	vmul.f32 s29, v2;
	s23 =	sadd.s32 $0x3640, s28;
	v0 =	vadd.f32 s0, v0  }
0x69: {  	v3 =	vadd.f32 s0, v3;
	[tilespmem:s23+$0xFFFFFFC0] =	vst v1  }
0x6a: {  	[tilespmem:s23+$0xFFFFFFD0] =	vst v0;
	v0 =	vadd.f32 s0, v2  }
0x6b: {  	[tilespmem:s23+$0xFFFFFFF0] =	vst v3  }
0x6c: {  	[tilespmem:s23+$0xFFFFFFE0] =	vst v0  }
0x6d: {  	v2 =	vld [tilespmem:s21+$0x0]  }
0x6e: {  	v0 =	vld [tilespmem:s21+$0x20]  }
0x6f: {  	v1 =	vld [tilespmem:s21+$0x30]  }
0x70: {  	v3 =	vld [tilespmem:s21+$0x10];
	_ =	sdelay $0x3  }
0x71: {  	v4 =	vmul.f32 v0, v0  }
0x72: {  	v5 =	vadd.f32 v1, v0;
	v6 =	vmul.f32 v1, v1;
	v7 =	vadd.f32 v3, v2  }
0x73: {  	v62 =	vmul.f32 v2, v2;
	v63 =	vmul.f32 v3, v3  }
0x74: {  	v5 =	vadd.f32 v5, v7  }
0x75: {  	v4 =	vadd.f32 v6, v4;
	v6 =	vadd.f32 v63, v62  }
0x76: {  	(xrf2) =	vadd.scan.msk.f32 $0xffff, v5  }
0x77: {  	v4 =	vadd.f32 v4, v6;
	_ =	sdelay $0x1  }
0x78: {  	(xrf2) =	vadd.scan.msk.f32 $0xffff, v4;
	_ =	sdelay $0x6  }
0x79: {  	v4, _, _ =	vpop (xrf2)  }
0x7a: {  	(v2sf) =	vpush v4, $0xF;
	_ =	sdelay $0x1  }
0x7b: {  	v4, _, _ =	vpop (xrf2)  }
0x7c: {  	(v2sf) =	vpush v4, $0xF;
	_ =	sdelay $0xb  }
0x7d: {  	s3 =	spop (v2sf)  }
0x7e: {  	s31 =	smul.f32 $1.562500000e-02, s3;
	_ =	sdelay $0x1  }
0x7f: {  	s10 =	spop (v2sf);
	s0 =	smul.f32 s31, s31  }
0x80: {  	s29 =	smul.f32 $1.587301680e-02, s10  }
0x81: {  	s0 =	smul.f32 $1.015873070e+00, s0;
	_ =	sdelay $0x1  }
0x82: {  	s0 =	ssub.f32 s29, s0;
	_ =	sdelay $0x1  }
0x83: {  	s0 =	smax.f32 s0, $0.0e+00  }
0x84: {  	s0 =	sadd.f32 $1.000000000e-30, s0;
	_ =	sdelay $0x1  }
0x85: {  	s12 =	sshra.s32 s0, $0x1  }
0x86: {  	s30 =	smul.f32 $5.000000000e-01, s0;
	s29 =	ssub.s32 $0x5F3759DF, s12  }
0x87: {  	s3 =	smul.f32 s29, s29;
	_ =	sdelay $0x1  }
0x88: {  	s3 =	smul.f32 s3, s30;
	_ =	sdelay $0x1  }
0x89: {  	s3 =	ssub.f32 $1.500000000e+00, s3;
	_ =	sdelay $0x1  }
0x8a: {  	s3 =	smul.f32 s29, s3;
	_ =	sdelay $0x1  }
0x8b: {  	s29 =	smul.f32 s3, s3;
	_ =	sdelay $0x1  }
0x8c: {  	s29 =	smul.f32 s29, s30;
	_ =	sdelay $0x1  }
0x8d: {  	s29 =	ssub.f32 $1.500000000e+00, s29;
	_ =	sdelay $0x1  }
0x8e: {  	s3 =	smul.f32 s29, s3;
	_ =	sdelay $0x1  }
0x8f: {  	s29 =	smul.f32 s3, s3;
	_ =	sdelay $0x1  }
0x90: {  	s29 =	smul.f32 s29, s30;
	_ =	sdelay $0x1  }
0x91: {  	s29 =	ssub.f32 $1.500000000e+00, s29;
	_ =	sdelay $0x1  }
0x92: {  	s3 =	smul.f32 s29, s3;
	_ =	sdelay $0x1  }
0x93: {  	s0 =	smul.f32 s3, s0;
	_ =	sdelay $0x1  }
0x94: {  	v5 =	vld [tilespmem:s25+$0x0];
	s30 =	sadd.f32 $9.999999770e-03, s0;
	_ =	sdelay $0x1  }
0x95: {  	s0 =	ssub.s32 $0x7EF311C3, s30  }
0x96: {  	s29 =	smul.f32 s0, s30  }
0x97: {  	v4 =	vld [tilespmem:s26+$0x3300]  }
0x98: {  	(v2sf) =	vpush v5, $0x1;
	s3 =	ssub.f32 $2.000000000e+00, s29  }
0x99: {  	s25 =	sadd.s32 s7, s24;
	s24 =	sadd.s32 $0x3600, s28  }
0x9a: {  	s28 =	simm.s32 $0x1;
	s26 =	smov.u32 s23;
	s0 =	smul.f32 s0, s3  }
.LBB2_3:
0x9b: {  	p2 =	sne.s32 s28, $0x2F;
	s23 =	sadd.s32 $0x80, s23;
	s21 =	sadd.s32 $0x80, s21  }
0x9c: {  	s29 =	smov.u32 s28;
	s28 =	sadd.s32 $0x1, s28;
	s3 =	smul.f32 s0, s30;
	(v2sf) =	vpush v4, $0x1  }
0x9d: {  	_ = 	snop  }
0x9e: {  	s3 =	ssub.f32 $2.000000000e+00, s3;
	_ =	sdelay $0x1  }
0x9f: {  	s0 =	smul.f32 s3, s0;
	_ =	sdelay $0x1  }
0xa0: {  	s3 =	smul.f32 s0, s30;
	_ =	sdelay $0x1  }
0xa1: {  	s3 =	ssub.f32 $2.000000000e+00, s3;
	_ =	sdelay $0x1  }
0xa2: {  	s0 =	smul.f32 s3, s0  }
0xa3: {  	s3 =	spop (v2sf)  }
0xa4: {  	s0 =	smul.f32 s0, s3;
	_ =	sdelay $0x1  }
0xa5: {  	s3 =	smul.f32 s0, s31;
	v2 =	vmul.f32 s0, v2;
	v3 =	vmul.f32 s0, v3  }
0xa6: {  	v0 =	vmul.f32 s0, v0;
	v1 =	vmul.f32 s0, v1;
	s0 =	spop (v2sf)  }
0xa7: {  	s0 =	ssub.f32 s0, s3;
	_ =	sdelay $0x1  }
0xa8: {  	v2 =	vadd.f32 s0, v2;
	v3 =	vadd.f32 s0, v3  }
0xa9: {  	v0 =	vadd.f32 s0, v0;
	v1 =	vadd.f32 s0, v1  }
0xaa: {  	[tilespmem:s26+$0x0] =	vst v2  }
0xab: {  	[tilespmem:s26+$0x20] =	vst v0  }
0xac: {  	[tilespmem:s26+$0x30] =	vst v1  }
0xad: {  	[tilespmem:s26+$0x10] =	vst v3;
	s26 =	smov.u32 s23  }
0xae: {  	v1 =	vld [tilespmem:s21+$0xFFFFFFD0]  }
0xaf: {  	v0 =	vld [tilespmem:s21+$0xFFFFFFC0]  }
0xb0: {  	v2 =	vld [tilespmem:s21+$0xFFFFFFE0]  }
0xb1: {  	v3 =	vld [tilespmem:s21+$0xFFFFFFF0];
	_ =	sdelay $0x3  }
0xb2: {  	v6 =	vmul.f32 v1, v1;
	v4 =	vadd.f32 v1, v0;
	v5 =	vmul.f32 v0, v0  }
0xb3: {  	v8 =	vmul.f32 v2, v2;
	v7 =	vadd.f32 v3, v2;
	v9 =	vmul.f32 v3, v3  }
0xb4: {  	v5 =	vadd.f32 v6, v5  }
0xb5: {  	v4 =	vadd.f32 v7, v4;
	v6 =	vadd.f32 v9, v8;
	_ =	sdelay $0x1  }
0xb6: {  	v5 =	vadd.f32 v6, v5;
	(xrf2) =	vadd.scan.msk.f32 $0xffff, v4;
	_ =	sdelay $0x2  }
0xb7: {  	(xrf2) =	vadd.scan.msk.f32 $0xffff, v5;
	_ =	sdelay $0x6  }
0xb8: {  	v4, _, _ =	vpop (xrf2)  }
0xb9: {  	(v2sf) =	vpush v4, $0xF;
	_ =	sdelay $0x1  }
0xba: {  	v4, _, _ =	vpop (xrf2)  }
0xbb: {  	(v2sf) =	vpush v4, $0xF;
	_ =	sdelay $0xb  }
0xbc: {  	s0 =	spop (v2sf)  }
0xbd: {  	s31 =	smul.f32 $1.562500000e-02, s0;
	_ =	sdelay $0x1  }
0xbe: {  	s0 =	smul.f32 s31, s31;
	s3 =	spop (v2sf)  }
0xbf: {  	s3 =	smul.f32 $1.587301680e-02, s3  }
0xc0: {  	s0 =	smul.f32 $1.015873070e+00, s0;
	_ =	sdelay $0x1  }
0xc1: {  	s0 =	ssub.f32 s3, s0;
	_ =	sdelay $0x1  }
0xc2: {  	s0 =	smax.f32 s0, $0.0e+00  }
0xc3: {  	s0 =	sadd.f32 $1.000000000e-30, s0;
	_ =	sdelay $0x1  }
0xc4: {  	s3 =	sshra.s32 s0, $0x1  }
0xc5: {  	s30 =	smul.f32 $5.000000000e-01, s0;
	s3 =	ssub.s32 $0x5F3759DF, s3  }
0xc6: {  	s10 =	smul.f32 s3, s3;
	_ =	sdelay $0x1  }
0xc7: {  	s10 =	smul.f32 s10, s30;
	_ =	sdelay $0x1  }
0xc8: {  	s10 =	ssub.f32 $1.500000000e+00, s10;
	_ =	sdelay $0x1  }
0xc9: {  	s3 =	smul.f32 s3, s10;
	_ =	sdelay $0x1  }
0xca: {  	s10 =	smul.f32 s3, s3;
	_ =	sdelay $0x1  }
0xcb: {  	s10 =	smul.f32 s10, s30;
	_ =	sdelay $0x1  }
0xcc: {  	s10 =	ssub.f32 $1.500000000e+00, s10;
	_ =	sdelay $0x1  }
0xcd: {  	s3 =	smul.f32 s10, s3  }
0xce: {  	s10 =	smul.u32 $0xAB, s29  }
0xcf: {  	s12 =	smul.f32 s3, s3  }
0xd0: {  	s10 =	sshrl.u32 s10, $0xA  }
0xd1: {  	s10 =	sand.u32 $0x3F, s10;
	s12 =	smul.f32 s12, s30  }
0xd2: {  	s10 =	smul.u32 $0x6, s10  }
0xd3: {  	s12 =	ssub.f32 $1.500000000e+00, s12  }
0xd4: {  	s10 =	ssub.s32 s29, s10  }
0xd5: {  	s10 =	sand.u32 $0xFF, s10;
	s3 =	smul.f32 s12, s3;
	_ =	sdelay $0x1  }
0xd6: {  	s29 =	sshll.u32 s10, $0x7;
	s0 =	smul.f32 s3, s0  }
0xd7: {  	s30 =	sor.u32 $0x3000, s29  }
0xd8: {  	v4 =	vld [tilespmem:s30+$0x0];
	s0 =	sadd.f32 $9.999999770e-03, s0;
	_ =	sdelay $0x1  }
0xd9: {  	s3 =	ssub.s32 $0x7EF311C3, s0  }
0xda: {  	s10 =	smul.f32 s3, s0  }
0xdb: {  	v5 =	vld [tilespmem:s29+$0x3300]  }
0xdc: {  	s10 =	ssub.f32 $2.000000000e+00, s10;
	(v2sf) =	vpush v4, $0x0;
	_ =	sdelay $0x1  }
0xdd: {  	s3 =	smul.f32 s3, s10;
	_ =	sdelay $0x1  }
0xde: {  	s10 =	smul.f32 s3, s0;
	(v2sf) =	vpush v5, $0x0;
	_ =	sdelay $0x1  }
0xdf: {  	s10 =	ssub.f32 $2.000000000e+00, s10;
	_ =	sdelay $0x1  }
0xe0: {  	s3 =	smul.f32 s10, s3;
	_ =	sdelay $0x1  }
0xe1: {  	s0 =	smul.f32 s3, s0;
	_ =	sdelay $0x1  }
0xe2: {  	s0 =	ssub.f32 $2.000000000e+00, s0;
	_ =	sdelay $0x1  }
0xe3: {  	s0 =	smul.f32 s0, s3  }
0xe4: {  	s3 =	spop (v2sf)  }
0xe5: {  	s0 =	smul.f32 s0, s3;
	_ =	sdelay $0x1  }
0xe6: {  	s3 =	smul.f32 s0, s31;
	v1 =	vmul.f32 s0, v1;
	v2 =	vmul.f32 s0, v2  }
0xe7: {  	v3 =	vmul.f32 s0, v3;
	s10 =	spop (v2sf)  }
0xe8: {  	v0 =	vmul.f32 s0, v0;
	s3 =	ssub.f32 s10, s3;
	_ =	sdelay $0x1  }
0xe9: {  	v0 =	vadd.f32 s3, v0;
	v1 =	vadd.f32 s3, v1  }
0xea: {  	v3 =	vadd.f32 s3, v3  }
0xeb: {  	[tilespmem:s23+$0xFFFFFFC0] =	vst v0  }
0xec: {  	v0 =	vadd.f32 s3, v2;
	[tilespmem:s23+$0xFFFFFFD0] =	vst v1  }
0xed: {  	[tilespmem:s23+$0xFFFFFFF0] =	vst v3  }
0xee: {  	[tilespmem:s23+$0xFFFFFFE0] =	vst v0  }
0xef: {  	v2 =	vld [tilespmem:s21+$0x0]  }
0xf0: {  	v0 =	vld [tilespmem:s21+$0x20]  }
0xf1: {  	v1 =	vld [tilespmem:s21+$0x30]  }
0xf2: {  	v3 =	vld [tilespmem:s21+$0x10];
	_ =	sdelay $0x2  }
0xf3: {  	v4 =	vmul.f32 v0, v0  }
0xf4: {  	v5 =	vadd.f32 v1, v0;
	v6 =	vmul.f32 v1, v1  }
0xf5: {  	v8 =	vmul.f32 v2, v2;
	v7 =	vadd.f32 v3, v2;
	v9 =	vmul.f32 v3, v3  }
0xf6: {  	v4 =	vadd.f32 v6, v4  }
0xf7: {  	v5 =	vadd.f32 v5, v7;
	v6 =	vadd.f32 v9, v8;
	_ =	sdelay $0x1  }
0xf8: {  	v4 =	vadd.f32 v4, v6;
	(xrf2) =	vadd.scan.msk.f32 $0xffff, v5;
	_ =	sdelay $0x2  }
0xf9: {  	(xrf2) =	vadd.scan.msk.f32 $0xffff, v4;
	_ =	sdelay $0x6  }
0xfa: {  	v4, _, _ =	vpop (xrf2)  }
0xfb: {  	(v2sf) =	vpush v4, $0xF;
	_ =	sdelay $0x1  }
0xfc: {  	v4, _, _ =	vpop (xrf2)  }
0xfd: {  	(v2sf) =	vpush v4, $0xF;
	_ =	sdelay $0xb  }
0xfe: {  	s0 =	spop (v2sf)  }
0xff: {  	s31 =	smul.f32 $1.562500000e-02, s0;
	_ =	sdelay $0x1  }
0x100: {  	s0 =	smul.f32 s31, s31;
	s3 =	spop (v2sf)  }
0x101: {  	s3 =	smul.f32 $1.587301680e-02, s3  }
0x102: {  	s0 =	smul.f32 $1.015873070e+00, s0;
	_ =	sdelay $0x1  }
0x103: {  	s0 =	ssub.f32 s3, s0;
	_ =	sdelay $0x1  }
0x104: {  	s0 =	smax.f32 s0, $0.0e+00  }
0x105: {  	s0 =	sadd.f32 $1.000000000e-30, s0;
	_ =	sdelay $0x1  }
0x106: {  	s3 =	sshra.s32 s0, $0x1  }
0x107: {  	s10 =	smul.f32 $5.000000000e-01, s0;
	s3 =	ssub.s32 $0x5F3759DF, s3  }
0x108: {  	s12 =	smul.f32 s3, s3;
	_ =	sdelay $0x1  }
0x109: {  	s12 =	smul.f32 s12, s10;
	_ =	sdelay $0x1  }
0x10a: {  	s12 =	ssub.f32 $1.500000000e+00, s12;
	_ =	sdelay $0x1  }
0x10b: {  	s3 =	smul.f32 s3, s12;
	_ =	sdelay $0x1  }
0x10c: {  	s12 =	smul.f32 s3, s3;
	_ =	sdelay $0x1  }
0x10d: {  	s12 =	smul.f32 s12, s10;
	_ =	sdelay $0x1  }
0x10e: {  	s12 =	ssub.f32 $1.500000000e+00, s12;
	_ =	sdelay $0x1  }
0x10f: {  	s3 =	smul.f32 s12, s3;
	_ =	sdelay $0x1  }
0x110: {  	s12 =	smul.f32 s3, s3;
	_ =	sdelay $0x1  }
0x111: {  	s10 =	smul.f32 s12, s10;
	_ =	sdelay $0x1  }
0x112: {  	s10 =	ssub.f32 $1.500000000e+00, s10;
	_ =	sdelay $0x1  }
0x113: {  	s3 =	smul.f32 s10, s3;
	_ =	sdelay $0x1  }
0x114: {  	s0 =	smul.f32 s3, s0;
	_ =	sdelay $0x1  }
0x115: {  	v5 =	vld [tilespmem:s30+$0x0];
	s30 =	sadd.f32 $9.999999770e-03, s0;
	_ =	sdelay $0x1  }
0x116: {  	s0 =	ssub.s32 $0x7EF311C3, s30  }
0x117: {  	s3 =	smul.f32 s0, s30  }
.Ltmp0:
0x118: {  	(pc) =	sbr.rel @p2 .LBB2_3-.Ltmp0, $3  }
0x119: {  	v4 =	vld [tilespmem:s29+$0x3300]  }
0x11a: {  	s3 =	ssub.f32 $2.000000000e+00, s3;
	(v2sf) =	vpush v5, $0x1;
	_ =	sdelay $0x1  }
0x11b: {  	s0 =	smul.f32 s0, s3  }
0x11c: {  	_ = 	snop  }
0x11d: {  	s3 =	smul.f32 s0, s30;
	(v2sf) =	vpush v4, $0x1;
	_ =	sdelay $0x1  }
0x11e: {  	s3 =	ssub.f32 $2.000000000e+00, s3;
	_ =	sdelay $0x1  }
0x11f: {  	s29 =	smul.f32 s3, s0;
	_ =	sdelay $0x1  }
0x120: {  	s3 =	smul.f32 s29, s30;
	_ =	sdelay $0x1  }
0x121: {  	s3 =	ssub.f32 $2.000000000e+00, s3;
	_ =	sdelay $0x1  }
0x122: {  	s0 =	smul.f32 s3, s29  }
0x123: {  	s30 =	spop (v2sf)  }
0x124: {  	s0 =	smul.f32 s0, s30;
	_ =	sdelay $0x1  }
0x125: {  	s3 =	smul.f32 s0, s31  }
0x126: {  	s10 =	spop (v2sf)  }
0x127: {  	v2 =	vmul.f32 s0, v2;
	s3 =	ssub.f32 s10, s3  }
0x128: {  	v0 =	vmul.f32 s0, v0  }
0x129: {  	v1 =	vmul.f32 s0, v1;
	v2 =	vadd.f32 s3, v2  }
0x12a: {  	p2 =	seq.s32 s20, $0x3F;
	v3 =	vmul.f32 s0, v3;
	v0 =	vadd.f32 s3, v0  }
0x12b: {  	p1 =	por p2, p1;
	v1 =	vadd.f32 s3, v1;
	[tilespmem:s26+$0x0] =	vst v2  }
0x12c: {  	s0 =	smul.u32 @p1 $0x1800, s25;
	v63 =	vadd.f32 s3, v3;
	[tilespmem:s26+$0x20] =	vst v0  }
0x12d: {  	s12 =	simm.s32 @p1 $0x0;
	[tilespmem:s26+$0x30] =	vst v1  }
0x12e: {  	s0 =	sshrl.u32 @p1 s0, $0x3;
	s10 =	sadd.s32 @p1 $0x3, s22;
	s3 =	simm.s32 $0x1;
	[tilespmem:s26+$0x10] =	vst v63  }
0x12f: {  	s0 =	sadd.s32 @p1 s2, s0;
	s3 =	simm.s32 @!p0 $0x0;
	_ =	strace $0x9000004B  }
0x130: {  	p0 =	seq.s32 s20, $0x0;
	s19 =	sadd.s32 s3, s19;
	_ =	strace @p1 $0x8000004C  }
0x131: {  	[hbm4b:s0+s12] =	stream.linear.scatter @p1 [tilespmem:s24], [sflag:s10], $0x1800, $0x200038;
	[tilespmem:$0x6600] =	vst v63  }
0x132: {  	s0 =	simm.s32 $0x1;
	s10 =	simm.s32 $0x1;
	_ =	strace @p1 $0x9000004C  }
0x133: {  	s0 =	simm.s32 @!p1 $0x0;
	p1 =	sne.s32 s20, $0x0;
	s20 =	sadd.s32 $0x1, s20  }
0x134: {  	s3 =	sand.u32 @!p0 $0x1, s16;
	s10 =	simm.s32 @!p1 $0x0;
	p1 =	sne.s32 s20, $0x40  }
.Ltmp1:
0x135: {  	s3 =	sadd.s32 @!p0 $0x3, s3;
	_ =	strace @!p0 $0x8000004D;
	(pc) =	sbr.rel @p1 .LBB2_2-.Ltmp1, $4  }
0x136: {  	_ =	swait.ge @!p0 [sflag:s3], $0x1800  }
0x137: {  	[sflag:s3] =	ssyncset.done @!p0 $0x0  }
0x138: {  	s17 =	sadd.s32 s0, s17;
	[sflag:s3] =	ssyncadd.s32 @!p0 $0xFFFFE800  }
0x139: {  	s18 =	sadd.s32 s0, s18;
	s16 =	sadd.s32 s10, s16;
	_ =	strace @!p0 $0x9000004D  }
0x13a: {  	s14 =	sadd.s32 $0x1, s14  }
0x13b: {  	p0 =	sne.s32 s14, s9  }
.Ltmp2:
0x13c: {  	_ =	strace $0x8000004E;
	(pc) =	sbr.rel @p0 .LBB2_1-.Ltmp2, $4  }
0x13d: {  	_ =	swait.ge [sflag:s13], $0x1800  }
0x13e: {  	[sflag:s13] =	ssyncset.done $0x0  }
0x13f: {  	[sflag:s13] =	ssyncadd.s32 $0xFFFFE800  }
0x140: {  	_ =	strace $0x9000004E  }
0x141: {  	_ =	sfence.sel $0x180000  }
0x142: {  	[bflag:$0x0] =	sbarrier.arrive $0xFFFF  }
0x143: {  	_ =	strace $0x90000047  }
0x144: {  	s0 =	stileid.u32;
	[bflag:$0x2] =	sbarrier.arrive $0xFFFF  }
0x145: {  	p0 =	sne.s32 s0, $0x0;
	s0 =	rddreg [dreg:$0x3]  }
0x146: {  	s0 =	sadd.s32 @!p0 $0x100000, s0  }
0x147: {  	[sflag:s0] =	ssyncadd.tile.s32 @!p0 $0x1;
	_ =	shalt  }
.Lfunc_end2:
_tile_overlayer_lowered:
.L_overlay_start_2:
0x148: {  	(tag) =	ssettag $0x2  }
0x149: {  	s0 =	rddreg [dreg:$0x0];
	s2 =	stileid.u32  }
0x14a: {  	s1 =	rddreg [dreg:$0x1];
	p0 =	sne.s32 s2, $0x0  }
0x14b: {  	s3 =	rddreg [dreg:$0x2];
	[bflag:$0x3] =	sbarrier.arrive $0xFFFF;
	s2 =	simm.s32 @!p0 $0x1C01  }
0x14c: {  	[timem:s3], [sflag:s2] =	dma.local @!p0 [hbm:s0], s1  }
0x14d: {  	s0 =	simm.s32 @!p0 $0x1  }
0x14e: {  	_ =	swait.ge @!p0 [sflag:s0], s1  }
0x14f: {  	s1 =	ssub.s32 @!p0 $0x0, s1;
	[sflag:s0] =	ssyncset.done @!p0 $0x0  }
0x150: {  	[sflag:s0] =	ssyncadd.s32 @!p0 s1  }
0x151: {  	[bflag:$0x3] =	sbarrier.arrive $0xFFFF  }
0x152: {  	_ =	shalt  }

</sc_bundles>
